<compile_context>
chip_gen: v7x
topology: tpu7x:2x2x1
jax: 0.10.2.dev20260603
libtpu: 0.0.44.dev20260713+nightly
codegen_flags: <defaults>
</compile_context>

<pallas_src>
import functools

import jax
import jax.numpy as jnp
from jax import lax
from jax.experimental import pallas as pl
from jax.experimental.pallas import tpu as pltpu
from jax.experimental.pallas import tpu_sc as plsc

N, D, B = 100000, 128, 1024

GR = 10000


def _gate_body(x_ref, w_ref, b_ref, out_ref):
    xb = x_ref[...]
    z = lax.dot_general(xb, w_ref[...], (((1,), (0,)), ((), ())),
                        preferred_element_type=jnp.float32) + b_ref[0]
    out_ref[...] = xb * jax.nn.sigmoid(z)


def _gate_pass(x, W, b):
    return pl.pallas_call(
        _gate_body,
        grid=(N // GR,),
        in_specs=[
            pl.BlockSpec((GR, D), lambda i: (i, 0)),
            pl.BlockSpec((D, 1), lambda i: (0, 0)),
            pl.BlockSpec((1,), lambda i: (0,)),
        ],
        out_specs=pl.BlockSpec((GR, D), lambda i: (i, 0)),
        out_shape=jax.ShapeDtypeStruct((N, D), jnp.float32),
    )(x, W, b)


NC, NS = 2, 16
NW = NC * NS
NB = 4
CH = 160
SUB = CH // 2
NCHUNK = N // CH
CPT = NCHUNK // NW
EXTRA = NCHUNK - CPT * NW
ZR = B // NS
SLOTS = ((CPT + 3) // NB + 1) * NB


def _sc_body(w_hbm, ids_hbm, p0_hbm, p1_hbm,
             rb0, rb1, rb2, rb3, ib0, ib1, ib2, ib3, acc,
             sr0, sr1, sr2, sr3, si0, si1, si2, si3,
             ss0, ss1, ss2, ss3):
    cid = lax.axis_index("c")
    sid = lax.axis_index("s")
    w = cid * NS + sid
    base = w * CPT + jnp.minimum(w, EXTRA)
    n = CPT + (w < EXTRA).astype(jnp.int32)

    rbufs, ibufs = (rb0, rb1, rb2, rb3), (ib0, ib1, ib2, ib3)
    srs, sis, sss = (sr0, sr1, sr2, sr3), (si0, si1, si2, si3), \
        (ss0, ss1, ss2, ss3)

    def issue(s, b):
        @pl.when((s >= 0) & (s < n))
        def _():
            chunk = base + s
            pltpu.async_copy(w_hbm.at[pl.ds(chunk * CH, CH), :],
                             rbufs[b], srs[b])
            for j in range(2):
                pltpu.async_copy(
                    ids_hbm.at[pl.ds(chunk * CH + j * SUB, SUB)],
                    ibufs[b].at[j], sis[b])

    def _zrow(r, carry):
        for j in range(D // 16):
            rb0[r, pl.ds(j * 16, 16)] = jnp.zeros((16,), jnp.float32)
        return carry
    lax.fori_loop(0, ZR, _zrow, None)
    pltpu.sync_copy(rb0.at[pl.ds(0, ZR)], acc.at[pl.ds(sid * ZR, ZR)])
    plsc.subcore_barrier()

    issue(0, 0)
    issue(1, 1)

    @pl.loop(0, SLOTS, step=NB)
    def _slot(o):
        for b in range(NB):
            s = o + b
            sp = s - 2
            bp = (b + 2) % NB

            @pl.when((sp >= 0) & (sp < n))
            def _():
                for j in range(2):
                    pltpu.make_async_copy(
                        rbufs[bp].at[pl.ds(j * SUB, SUB), :],
                        acc.at[ibufs[bp].at[j]], sss[bp]).wait()
            issue(s + 2, bp)

            @pl.when(s < n)
            def _():
                chunk = base + s
                pltpu.make_async_copy(w_hbm.at[pl.ds(chunk * CH, CH), :],
                                      rbufs[b], srs[b]).wait()
                for j in range(2):
                    pltpu.make_async_copy(
                        ids_hbm.at[pl.ds(chunk * CH + j * SUB, SUB)],
                        ibufs[b].at[j], sis[b]).wait()
                for j in range(2):
                    pltpu.async_copy(rbufs[b].at[pl.ds(j * SUB, SUB), :],
                                     acc.at[ibufs[b].at[j]], sss[b],
                                     add=True)

    plsc.subcore_barrier()

    @pl.when(cid == 0)
    def _():
        pltpu.sync_copy(acc.at[pl.ds(sid * ZR, ZR)],
                        p0_hbm.at[pl.ds(sid * ZR, ZR)])

    @pl.when(cid == 1)
    def _():
        pltpu.sync_copy(acc.at[pl.ds(sid * ZR, ZR)],
                        p1_hbm.at[pl.ds(sid * ZR, ZR)])


def _sc_scatter(weighted, batch_id):
    mesh = plsc.VectorSubcoreMesh(core_axis_name="c", subcore_axis_name="s",
                                  num_cores=NC, num_subcores=NS)
    f = pl.kernel(
        _sc_body,
        out_type=(jax.ShapeDtypeStruct((B, D), jnp.float32),
                  jax.ShapeDtypeStruct((B, D), jnp.float32)),
        mesh=mesh,
        scratch_types=(
            [pltpu.VMEM((CH, D), jnp.float32) for _ in range(NB)]
            + [pltpu.VMEM((2, SUB), jnp.int32) for _ in range(NB)]
            + [pltpu.VMEM_SHARED((B, D), jnp.float32)]
            + [pltpu.SemaphoreType.DMA for _ in range(3 * NB)]
        ),
    )
    return f(weighted, batch_id)


def _combine_body(p0_ref, p1_ref, out_ref):
    out_ref[...] = p0_ref[...] + p1_ref[...]


def _combine(p0, p1):
    return pl.pallas_call(
        _combine_body,
        in_specs=[pl.BlockSpec((B, D), lambda: (0, 0)),
                  pl.BlockSpec((B, D), lambda: (0, 0))],
        out_specs=pl.BlockSpec((B, D), lambda: (0, 0)),
        out_shape=jax.ShapeDtypeStruct((B, D), jnp.float32),
    )(p0, p1)


def kernel(x, batch_id, batch_size, W, b):
    weighted = _gate_pass(x, W, b)
    p0, p1 = _sc_scatter(weighted, batch_id)
    out = _combine(p0, p1)
    return out + jnp.asarray(batch_size - B, dtype=out.dtype)

# --- scband reference (transcript-rebuilt; emitter-appended) ---
"""Pipeline reference for scband-hetero-graph-encoder-69509750718840 (READ-ONLY COPY).

The authoritative reference and input builder live on the scoring server;
editing this copy changes nothing except your own understanding.
"""

import jax, jax.numpy as jnp
import numpy as np

N, D, B = 100000, 128, 1024

def setup_inputs(seed: int = 0) -> dict:
    key = jax.random.key(seed)
    k1, k2, k3 = jax.random.split(key, 3)
    x = jax.random.normal(k1, (N, D), dtype=jnp.float32)
    batch_id = jnp.sort(jax.random.randint(k2, (N,), 0, B)).astype(jnp.int32)
    # AttentiveReadout.gate = Linear(D, 1) followed by Sigmoid
    W = jax.random.normal(k3, (D, 1), dtype=jnp.float32) * (1.0 / np.sqrt(D))
    b = jnp.zeros((1,), dtype=jnp.float32)
    return {"x": x, "batch_id": batch_id, "batch_size": B, "W": W, "b": b}

def reference(x, batch_id, batch_size, W, b):
    # gate = sigmoid(Linear(x)) -> (N, 1)
    weights = jax.nn.sigmoid(x @ W + b)
    weighted = x * weights  # (N, D)
    # scatter_add over graph membership -> (B, D)
    out = jax.ops.segment_sum(weighted, batch_id, num_segments=B)
    out = out + jnp.asarray(batch_size - B, dtype=out.dtype)
    return out

if __name__ == "__main__":
    import jax
    _d = setup_inputs()
    print(jax.jit(kernel)(*tuple(_d.values())))

</pallas_src>

<mosaic_0001>
#map = affine_map<(d0, d1) -> (0, 0)>
#map1 = affine_map<(d0, d1) -> (0)>
module attributes {stable_mosaic.version = 14 : i64} {
  func.func @_sc_body(%arg0: i32, %arg1: i32, %arg2: memref<100000x128xf32, #tpu.memory_space<hbm>>, %arg3: memref<100000xi32, #tpu.memory_space<hbm>>, %arg4: memref<1024x128xf32, #tpu.memory_space<hbm>>, %arg5: memref<1024x128xf32, #tpu.memory_space<hbm>>, %arg6: memref<160x128xf32, #tpu.memory_space<vmem>>, %arg7: memref<160x128xf32, #tpu.memory_space<vmem>>, %arg8: memref<160x128xf32, #tpu.memory_space<vmem>>, %arg9: memref<160x128xf32, #tpu.memory_space<vmem>>, %arg10: memref<2x80xi32, #tpu.memory_space<vmem>>, %arg11: memref<2x80xi32, #tpu.memory_space<vmem>>, %arg12: memref<2x80xi32, #tpu.memory_space<vmem>>, %arg13: memref<2x80xi32, #tpu.memory_space<vmem>>, %arg14: memref<1024x128xf32, #tpu.memory_space<vmem_shared>>, %arg15: memref<!tpu.dma_semaphore, #tpu.memory_space<semaphore_mem>>, %arg16: memref<!tpu.dma_semaphore, #tpu.memory_space<semaphore_mem>>, %arg17: memref<!tpu.dma_semaphore, #tpu.memory_space<semaphore_mem>>, %arg18: memref<!tpu.dma_semaphore, #tpu.memory_space<semaphore_mem>>, %arg19: memref<!tpu.dma_semaphore, #tpu.memory_space<semaphore_mem>>, %arg20: memref<!tpu.dma_semaphore, #tpu.memory_space<semaphore_mem>>, %arg21: memref<!tpu.dma_semaphore, #tpu.memory_space<semaphore_mem>>, %arg22: memref<!tpu.dma_semaphore, #tpu.memory_space<semaphore_mem>>, %arg23: memref<!tpu.dma_semaphore, #tpu.memory_space<semaphore_mem>>, %arg24: memref<!tpu.dma_semaphore, #tpu.memory_space<semaphore_mem>>, %arg25: memref<!tpu.dma_semaphore, #tpu.memory_space<semaphore_mem>>, %arg26: memref<!tpu.dma_semaphore, #tpu.memory_space<semaphore_mem>>) attributes {dimension_semantics = [#tpu.dimension_semantics<core_parallel>, #tpu.dimension_semantics<subcore_parallel>], iteration_bounds = array<i64: 2, 16>, scalar_prefetch = 0 : i64, scratch_operands = 21 : i64, tpu.core_type = #tpu.core_type<sc_vector_subcore>, window_params = [{transform_indices = #map}, {transform_indices = #map1}, {transform_indices = #map}, {transform_indices = #map}]} {
    %mul3A = arith.constant 16 : i32
    %mul3A_0 = arith.muli %arg0, %mul3A : i32
    %add3A = arith.addi %mul3A_0, %arg1 : i32
    %mul3A_1 = arith.constant 19 : i32
    %mul3A_2 = arith.muli %add3A, %mul3A_1 : i32
    %min3A = arith.constant 17 : i32
    %min3A_3 = arith.minsi %add3A, %min3A : i32
    %add3A_4 = arith.addi %mul3A_2, %min3A_3 : i32
    %lt3A = arith.constant 17 : i32
    %lt3A_5 = arith.cmpi slt, %add3A, %lt3A : i32
    %convert_element_type3A = arith.extui %lt3A_5 : i1 to i32
    %add3A_6 = arith.constant 19 : i32
    %add3A_7 = arith.addi %add3A_6, %convert_element_type3A : i32
    %scan3A = arith.constant 0 : i32
    %scan3A_8 = arith.constant 64 : i32
    %scan3A_9 = arith.addi %scan3A, %scan3A_8 : i32
    %scan3A_10 = arith.constant 1 : i32
    scf.for %scan3A_40 = %scan3A to %scan3A_9 step %scan3A_10  : i32 {
      %broadcast_in_dim3A = arith.constant 0.000000e+00 : f32
      %broadcast_in_dim3A_41 = vector.broadcast %broadcast_in_dim3A : f32 to vector<16xf32>
      %swap3A = arith.index_cast %scan3A_40 : i32 to index
      %swap3A_42 = arith.constant 0 : index
      %swap3A_43 = tpu.vector_load %arg6[%swap3A, %swap3A_42] {strides = array<i32>} : memref<160x128xf32, #tpu.memory_space<vmem>>, vector<1x16xf32>,
      %swap3A_44 = vector.shape_cast %swap3A_43 : vector<1x16xf32> to vector<16xf32>
      %swap3A_45 = vector.shape_cast %broadcast_in_dim3A_41 : vector<16xf32> to vector<1x16xf32>
      tpu.vector_store %arg6[%swap3A, %swap3A_42], %swap3A_45 {strides = array<i32>} : memref<160x128xf32, #tpu.memory_space<vmem>>, vector<1x16xf32>,
      %broadcast_in_dim3A_46 = arith.constant 0.000000e+00 : f32
      %broadcast_in_dim3A_47 = vector.broadcast %broadcast_in_dim3A_46 : f32 to vector<16xf32>
      %swap3A_48 = arith.index_cast %scan3A_40 : i32 to index
      %swap3A_49 = arith.constant 16 : index
      %swap3A_50 = tpu.vector_load %arg6[%swap3A_48, %swap3A_49] {strides = array<i32>} : memref<160x128xf32, #tpu.memory_space<vmem>>, vector<1x16xf32>,
      %swap3A_51 = vector.shape_cast %swap3A_50 : vector<1x16xf32> to vector<16xf32>
      %swap3A_52 = vector.shape_cast %broadcast_in_dim3A_47 : vector<16xf32> to vector<1x16xf32>
      tpu.vector_store %arg6[%swap3A_48, %swap3A_49], %swap3A_52 {strides = array<i32>} : memref<160x128xf32, #tpu.memory_space<vmem>>, vector<1x16xf32>,
      %broadcast_in_dim3A_53 = arith.constant 0.000000e+00 : f32
      %broadcast_in_dim3A_54 = vector.broadcast %broadcast_in_dim3A_53 : f32 to vector<16xf32>
      %swap3A_55 = arith.index_cast %scan3A_40 : i32 to index
      %swap3A_56 = arith.constant 32 : index
      %swap3A_57 = tpu.vector_load %arg6[%swap3A_55, %swap3A_56] {strides = array<i32>} : memref<160x128xf32, #tpu.memory_space<vmem>>, vector<1x16xf32>,
      %swap3A_58 = vector.shape_cast %swap3A_57 : vector<1x16xf32> to vector<16xf32>
      %swap3A_59 = vector.shape_cast %broadcast_in_dim3A_54 : vector<16xf32> to vector<1x16xf32>
      tpu.vector_store %arg6[%swap3A_55, %swap3A_56], %swap3A_59 {strides = array<i32>} : memref<160x128xf32, #tpu.memory_space<vmem>>, vector<1x16xf32>,
      %broadcast_in_dim3A_60 = arith.constant 0.000000e+00 : f32
      %broadcast_in_dim3A_61 = vector.broadcast %broadcast_in_dim3A_60 : f32 to vector<16xf32>
      %swap3A_62 = arith.index_cast %scan3A_40 : i32 to index
      %swap3A_63 = arith.constant 48 : index
      %swap3A_64 = tpu.vector_load %arg6[%swap3A_62, %swap3A_63] {strides = array<i32>} : memref<160x128xf32, #tpu.memory_space<vmem>>, vector<1x16xf32>,
      %swap3A_65 = vector.shape_cast %swap3A_64 : vector<1x16xf32> to vector<16xf32>
      %swap3A_66 = vector.shape_cast %broadcast_in_dim3A_61 : vector<16xf32> to vector<1x16xf32>
      tpu.vector_store %arg6[%swap3A_62, %swap3A_63], %swap3A_66 {strides = array<i32>} : memref<160x128xf32, #tpu.memory_space<vmem>>, vector<1x16xf32>,
      %broadcast_in_dim3A_67 = arith.constant 0.000000e+00 : f32
      %broadcast_in_dim3A_68 = vector.broadcast %broadcast_in_dim3A_67 : f32 to vector<16xf32>
      %swap3A_69 = arith.index_cast %scan3A_40 : i32 to index
      %swap3A_70 = arith.constant 64 : index
      %swap3A_71 = tpu.vector_load %arg6[%swap3A_69, %swap3A_70] {strides = array<i32>} : memref<160x128xf32, #tpu.memory_space<vmem>>, vector<1x16xf32>,
      %swap3A_72 = vector.shape_cast %swap3A_71 : vector<1x16xf32> to vector<16xf32>
      %swap3A_73 = vector.shape_cast %broadcast_in_dim3A_68 : vector<16xf32> to vector<1x16xf32>
      tpu.vector_store %arg6[%swap3A_69, %swap3A_70], %swap3A_73 {strides = array<i32>} : memref<160x128xf32, #tpu.memory_space<vmem>>, vector<1x16xf32>,
      %broadcast_in_dim3A_74 = arith.constant 0.000000e+00 : f32
      %broadcast_in_dim3A_75 = vector.broadcast %broadcast_in_dim3A_74 : f32 to vector<16xf32>
      %swap3A_76 = arith.index_cast %scan3A_40 : i32 to index
      %swap3A_77 = arith.constant 80 : index
      %swap3A_78 = tpu.vector_load %arg6[%swap3A_76, %swap3A_77] {strides = array<i32>} : memref<160x128xf32, #tpu.memory_space<vmem>>, vector<1x16xf32>,
      %swap3A_79 = vector.shape_cast %swap3A_78 : vector<1x16xf32> to vector<16xf32>
      %swap3A_80 = vector.shape_cast %broadcast_in_dim3A_75 : vector<16xf32> to vector<1x16xf32>
      tpu.vector_store %arg6[%swap3A_76, %swap3A_77], %swap3A_80 {strides = array<i32>} : memref<160x128xf32, #tpu.memory_space<vmem>>, vector<1x16xf32>,
      %broadcast_in_dim3A_81 = arith.constant 0.000000e+00 : f32
      %broadcast_in_dim3A_82 = vector.broadcast %broadcast_in_dim3A_81 : f32 to vector<16xf32>
      %swap3A_83 = arith.index_cast %scan3A_40 : i32 to index
      %swap3A_84 = arith.constant 96 : index
      %swap3A_85 = tpu.vector_load %arg6[%swap3A_83, %swap3A_84] {strides = array<i32>} : memref<160x128xf32, #tpu.memory_space<vmem>>, vector<1x16xf32>,
      %swap3A_86 = vector.shape_cast %swap3A_85 : vector<1x16xf32> to vector<16xf32>
      %swap3A_87 = vector.shape_cast %broadcast_in_dim3A_82 : vector<16xf32> to vector<1x16xf32>
      tpu.vector_store %arg6[%swap3A_83, %swap3A_84], %swap3A_87 {strides = array<i32>} : memref<160x128xf32, #tpu.memory_space<vmem>>, vector<1x16xf32>,
      %broadcast_in_dim3A_88 = arith.constant 0.000000e+00 : f32
      %broadcast_in_dim3A_89 = vector.broadcast %broadcast_in_dim3A_88 : f32 to vector<16xf32>
      %swap3A_90 = arith.index_cast %scan3A_40 : i32 to index
      %swap3A_91 = arith.constant 112 : index
      %swap3A_92 = tpu.vector_load %arg6[%swap3A_90, %swap3A_91] {strides = array<i32>} : memref<160x128xf32, #tpu.memory_space<vmem>>, vector<1x16xf32>,
      %swap3A_93 = vector.shape_cast %swap3A_92 : vector<1x16xf32> to vector<16xf32>
      %swap3A_94 = vector.shape_cast %broadcast_in_dim3A_89 : vector<16xf32> to vector<1x16xf32>
      tpu.vector_store %arg6[%swap3A_90, %swap3A_91], %swap3A_94 {strides = array<i32>} : memref<160x128xf32, #tpu.memory_space<vmem>>, vector<1x16xf32>,
    }
    %scan3A_11 = arith.constant 64 : i32
    %mul3A_12 = arith.constant 64 : i32
    %mul3A_13 = arith.muli %arg1, %mul3A_12 : i32
    "tpu.region"() ({
      %run_scoped3A = tpu.sem_alloc : memref<!tpu.dma_semaphore, #tpu.memory_space<semaphore_mem>>
      %dma_start3A = arith.constant 0 : i32
      %dma_start3A_40 = arith.constant 0 : i32
      %dma_start3A_41 = tpu.memref_slice %arg6[%dma_start3A, %dma_start3A_40] : memref<160x128xf32, #tpu.memory_space<vmem>> -> memref<64x128xf32, #tpu.memory_space<vmem>>
      %dma_start3A_42 = arith.constant 0 : i32
      %dma_start3A_43 = tpu.memref_slice %arg14[%mul3A_13, %dma_start3A_42] : memref<1024x128xf32, #tpu.memory_space<vmem_shared>> -> memref<64x128xf32, #tpu.memory_space<vmem_shared>>
      %dma_start3A_44 = arith.constant 0 : i32
      %dma_start3A_45 = tpu.memref_slice %arg14[%mul3A_13, %dma_start3A_44] : memref<1024x128xf32, #tpu.memory_space<vmem_shared>> -> memref<64x128xf32, #tpu.memory_space<vmem_shared>>
      %dma_start3A_46 = arith.constant 0 : i32
      %dma_start3A_47 = arith.constant 0 : i32
      %dma_start3A_48 = tpu.memref_slice %arg6[%dma_start3A_46, %dma_start3A_47] : memref<160x128xf32, #tpu.memory_space<vmem>> -> memref<64x128xf32, #tpu.memory_space<vmem>>
      tpu.enqueue_dma source(%dma_start3A_48 : memref<64x128xf32, #tpu.memory_space<vmem>>) target(%dma_start3A_45 : memref<64x128xf32, #tpu.memory_space<vmem_shared>>) target_semaphore(%run_scoped3A : memref<!tpu.dma_semaphore, #tpu.memory_space<semaphore_mem>>)
      %dma_wait3A = arith.constant 0 : i32
      %dma_wait3A_49 = arith.constant 0 : i32
      %dma_wait3A_50 = tpu.memref_slice %arg6[%dma_wait3A, %dma_wait3A_49] : memref<160x128xf32, #tpu.memory_space<vmem>> -> memref<64x128xf32, #tpu.memory_space<vmem>>
      %dma_wait3A_51 = arith.constant 0 : i32
      %dma_wait3A_52 = tpu.memref_slice %arg14[%mul3A_13, %dma_wait3A_51] : memref<1024x128xf32, #tpu.memory_space<vmem_shared>> -> memref<64x128xf32, #tpu.memory_space<vmem_shared>>
      %dma_wait3A_53 = arith.constant 0 : i32
      %dma_wait3A_54 = tpu.memref_slice %arg14[%mul3A_13, %dma_wait3A_53] : memref<1024x128xf32, #tpu.memory_space<vmem_shared>> -> memref<64x128xf32, #tpu.memory_space<vmem_shared>>
      %dma_wait3A_55 = arith.constant 0 : i32
      %dma_wait3A_56 = arith.constant 0 : i32
      %dma_wait3A_57 = tpu.memref_slice %arg6[%dma_wait3A_55, %dma_wait3A_56] : memref<160x128xf32, #tpu.memory_space<vmem>> -> memref<64x128xf32, #tpu.memory_space<vmem>>
      tpu.wait_dma2 semaphore(%run_scoped3A : memref<!tpu.dma_semaphore, #tpu.memory_space<semaphore_mem>>) src(%dma_wait3A_57 : memref<64x128xf32, #tpu.memory_space<vmem>>) dst(%dma_wait3A_54 : memref<64x128xf32, #tpu.memory_space<vmem_shared>>)
      tpu.yield
    }) : () -> ()
    %barrier3A = arith.constant 0 : index
    tpu.barrier barrier_id(%barrier3A)
    %gt3A = arith.constant 0 : i32
    %gt3A_14 = arith.cmpi sgt, %add3A_7, %gt3A : i32
    %and3A = arith.constant true
    %and3A_15 = arith.andi %and3A, %gt3A_14 : i1
    %convert_element_type3A_16 = arith.extui %and3A_15 : i1 to i32
    %cond3A = arith.constant 0 : i32
    %cond3A_17 = arith.cmpi ne, %convert_element_type3A_16, %cond3A : i32
    scf.if %cond3A_17 {
      %add3A_40 = arith.constant 0 : i32
      %add3A_41 = arith.addi %add3A_4, %add3A_40 : i32
      %mul3A_42 = arith.constant 160 : i32
      %mul3A_43 = arith.muli %add3A_41, %mul3A_42 : i32
      %dma_start3A = arith.constant 0 : i32
      %dma_start3A_44 = tpu.memref_slice %arg2[%mul3A_43, %dma_start3A] : memref<100000x128xf32, #tpu.memory_space<hbm>> -> memref<160x128xf32, #tpu.memory_space<hbm>>
      %dma_start3A_45 = arith.constant 0 : i32
      %dma_start3A_46 = tpu.memref_slice %arg2[%mul3A_43, %dma_start3A_45] : memref<100000x128xf32, #tpu.memory_space<hbm>> -> memref<160x128xf32, #tpu.memory_space<hbm>>
      tpu.enqueue_dma source(%dma_start3A_46 : memref<160x128xf32, #tpu.memory_space<hbm>>) target(%arg6 : memref<160x128xf32, #tpu.memory_space<vmem>>) target_semaphore(%arg15 : memref<!tpu.dma_semaphore, #tpu.memory_space<semaphore_mem>>)
      %mul3A_47 = arith.constant 160 : i32
      %mul3A_48 = arith.muli %add3A_41, %mul3A_47 : i32
      %add3A_49 = arith.constant 0 : i32
      %add3A_50 = arith.addi %mul3A_48, %add3A_49 : i32
      %dma_start3A_51 = arith.constant 0 : i32
      %dma_start3A_52 = arith.constant 0 : i32
      %dma_start3A_53 = tpu.memref_slice %arg10[%dma_start3A_51, %dma_start3A_52] : memref<2x80xi32, #tpu.memory_space<vmem>> -> memref<1x80xi32, #tpu.memory_space<vmem>>
      %dma_start3A_54 = tpu.memref_squeeze %dma_start3A_53 : memref<1x80xi32, #tpu.memory_space<vmem>> -> memref<80xi32, #tpu.memory_space<vmem>>
      %dma_start3A_55 = tpu.memref_slice %arg3[%add3A_50] : memref<100000xi32, #tpu.memory_space<hbm>> -> memref<80xi32, #tpu.memory_space<hbm>>
      %dma_start3A_56 = arith.constant 0 : i32
      %dma_start3A_57 = tpu.memref_slice %arg10[%dma_start3A_51, %dma_start3A_56] : memref<2x80xi32, #tpu.memory_space<vmem>> -> memref<1x80xi32, #tpu.memory_space<vmem>>
      %dma_start3A_58 = tpu.memref_squeeze %dma_start3A_57 : memref<1x80xi32, #tpu.memory_space<vmem>> -> memref<80xi32, #tpu.memory_space<vmem>>
      %dma_start3A_59 = tpu.memref_slice %arg3[%add3A_50] : memref<100000xi32, #tpu.memory_space<hbm>> -> memref<80xi32, #tpu.memory_space<hbm>>
      tpu.enqueue_dma source(%dma_start3A_59 : memref<80xi32, #tpu.memory_space<hbm>>) target(%dma_start3A_58 : memref<80xi32, #tpu.memory_space<vmem>>) target_semaphore(%arg19 : memref<!tpu.dma_semaphore, #tpu.memory_space<semaphore_mem>>)
      %mul3A_60 = arith.constant 160 : i32
      %mul3A_61 = arith.muli %add3A_41, %mul3A_60 : i32
      %add3A_62 = arith.constant 80 : i32
      %add3A_63 = arith.addi %mul3A_61, %add3A_62 : i32
      %dma_start3A_64 = arith.constant 1 : i32
      %dma_start3A_65 = arith.constant 0 : i32
      %dma_start3A_66 = tpu.memref_slice %arg10[%dma_start3A_64, %dma_start3A_65] : memref<2x80xi32, #tpu.memory_space<vmem>> -> memref<1x80xi32, #tpu.memory_space<vmem>>
      %dma_start3A_67 = tpu.memref_squeeze %dma_start3A_66 : memref<1x80xi32, #tpu.memory_space<vmem>> -> memref<80xi32, #tpu.memory_space<vmem>>
      %dma_start3A_68 = tpu.memref_slice %arg3[%add3A_63] : memref<100000xi32, #tpu.memory_space<hbm>> -> memref<80xi32, #tpu.memory_space<hbm>>
      %dma_start3A_69 = arith.constant 0 : i32
      %dma_start3A_70 = tpu.memref_slice %arg10[%dma_start3A_64, %dma_start3A_69] : memref<2x80xi32, #tpu.memory_space<vmem>> -> memref<1x80xi32, #tpu.memory_space<vmem>>
      %dma_start3A_71 = tpu.memref_squeeze %dma_start3A_70 : memref<1x80xi32, #tpu.memory_space<vmem>> -> memref<80xi32, #tpu.memory_space<vmem>>
      %dma_start3A_72 = tpu.memref_slice %arg3[%add3A_63] : memref<100000xi32, #tpu.memory_space<hbm>> -> memref<80xi32, #tpu.memory_space<hbm>>
      tpu.enqueue_dma source(%dma_start3A_72 : memref<80xi32, #tpu.memory_space<hbm>>) target(%dma_start3A_71 : memref<80xi32, #tpu.memory_space<vmem>>) target_semaphore(%arg19 : memref<!tpu.dma_semaphore, #tpu.memory_space<semaphore_mem>>)
    } else {
    }
    %gt3A_18 = arith.constant 1 : i32
    %gt3A_19 = arith.cmpi sgt, %add3A_7, %gt3A_18 : i32
    %and3A_20 = arith.constant true
    %and3A_21 = arith.andi %and3A_20, %gt3A_19 : i1
    %convert_element_type3A_22 = arith.extui %and3A_21 : i1 to i32
    %cond3A_23 = arith.constant 0 : i32
    %cond3A_24 = arith.cmpi ne, %convert_element_type3A_22, %cond3A_23 : i32
    scf.if %cond3A_24 {
      %add3A_40 = arith.constant 1 : i32
      %add3A_41 = arith.addi %add3A_4, %add3A_40 : i32
      %mul3A_42 = arith.constant 160 : i32
      %mul3A_43 = arith.muli %add3A_41, %mul3A_42 : i32
      %dma_start3A = arith.constant 0 : i32
      %dma_start3A_44 = tpu.memref_slice %arg2[%mul3A_43, %dma_start3A] : memref<100000x128xf32, #tpu.memory_space<hbm>> -> memref<160x128xf32, #tpu.memory_space<hbm>>
      %dma_start3A_45 = arith.constant 0 : i32
      %dma_start3A_46 = tpu.memref_slice %arg2[%mul3A_43, %dma_start3A_45] : memref<100000x128xf32, #tpu.memory_space<hbm>> -> memref<160x128xf32, #tpu.memory_space<hbm>>
      tpu.enqueue_dma source(%dma_start3A_46 : memref<160x128xf32, #tpu.memory_space<hbm>>) target(%arg7 : memref<160x128xf32, #tpu.memory_space<vmem>>) target_semaphore(%arg16 : memref<!tpu.dma_semaphore, #tpu.memory_space<semaphore_mem>>)
      %mul3A_47 = arith.constant 160 : i32
      %mul3A_48 = arith.muli %add3A_41, %mul3A_47 : i32
      %add3A_49 = arith.constant 0 : i32
      %add3A_50 = arith.addi %mul3A_48, %add3A_49 : i32
      %dma_start3A_51 = arith.constant 0 : i32
      %dma_start3A_52 = arith.constant 0 : i32
      %dma_start3A_53 = tpu.memref_slice %arg11[%dma_start3A_51, %dma_start3A_52] : memref<2x80xi32, #tpu.memory_space<vmem>> -> memref<1x80xi32, #tpu.memory_space<vmem>>
      %dma_start3A_54 = tpu.memref_squeeze %dma_start3A_53 : memref<1x80xi32, #tpu.memory_space<vmem>> -> memref<80xi32, #tpu.memory_space<vmem>>
      %dma_start3A_55 = tpu.memref_slice %arg3[%add3A_50] : memref<100000xi32, #tpu.memory_space<hbm>> -> memref<80xi32, #tpu.memory_space<hbm>>
      %dma_start3A_56 = arith.constant 0 : i32
      %dma_start3A_57 = tpu.memref_slice %arg11[%dma_start3A_51, %dma_start3A_56] : memref<2x80xi32, #tpu.memory_space<vmem>> -> memref<1x80xi32, #tpu.memory_space<vmem>>
      %dma_start3A_58 = tpu.memref_squeeze %dma_start3A_57 : memref<1x80xi32, #tpu.memory_space<vmem>> -> memref<80xi32, #tpu.memory_space<vmem>>
      %dma_start3A_59 = tpu.memref_slice %arg3[%add3A_50] : memref<100000xi32, #tpu.memory_space<hbm>> -> memref<80xi32, #tpu.memory_space<hbm>>
      tpu.enqueue_dma source(%dma_start3A_59 : memref<80xi32, #tpu.memory_space<hbm>>) target(%dma_start3A_58 : memref<80xi32, #tpu.memory_space<vmem>>) target_semaphore(%arg20 : memref<!tpu.dma_semaphore, #tpu.memory_space<semaphore_mem>>)
      %mul3A_60 = arith.constant 160 : i32
      %mul3A_61 = arith.muli %add3A_41, %mul3A_60 : i32
      %add3A_62 = arith.constant 80 : i32
      %add3A_63 = arith.addi %mul3A_61, %add3A_62 : i32
      %dma_start3A_64 = arith.constant 1 : i32
      %dma_start3A_65 = arith.constant 0 : i32
      %dma_start3A_66 = tpu.memref_slice %arg11[%dma_start3A_64, %dma_start3A_65] : memref<2x80xi32, #tpu.memory_space<vmem>> -> memref<1x80xi32, #tpu.memory_space<vmem>>
      %dma_start3A_67 = tpu.memref_squeeze %dma_start3A_66 : memref<1x80xi32, #tpu.memory_space<vmem>> -> memref<80xi32, #tpu.memory_space<vmem>>
      %dma_start3A_68 = tpu.memref_slice %arg3[%add3A_63] : memref<100000xi32, #tpu.memory_space<hbm>> -> memref<80xi32, #tpu.memory_space<hbm>>
      %dma_start3A_69 = arith.constant 0 : i32
      %dma_start3A_70 = tpu.memref_slice %arg11[%dma_start3A_64, %dma_start3A_69] : memref<2x80xi32, #tpu.memory_space<vmem>> -> memref<1x80xi32, #tpu.memory_space<vmem>>
      %dma_start3A_71 = tpu.memref_squeeze %dma_start3A_70 : memref<1x80xi32, #tpu.memory_space<vmem>> -> memref<80xi32, #tpu.memory_space<vmem>>
      %dma_start3A_72 = tpu.memref_slice %arg3[%add3A_63] : memref<100000xi32, #tpu.memory_space<hbm>> -> memref<80xi32, #tpu.memory_space<hbm>>
      tpu.enqueue_dma source(%dma_start3A_72 : memref<80xi32, #tpu.memory_space<hbm>>) target(%dma_start3A_71 : memref<80xi32, #tpu.memory_space<vmem>>) target_semaphore(%arg20 : memref<!tpu.dma_semaphore, #tpu.memory_space<semaphore_mem>>)
    } else {
    }
    %scan3A_25 = arith.constant 0 : i32
    %scan3A_26 = arith.constant 6 : i32
    %scan3A_27 = arith.addi %scan3A_25, %scan3A_26 : i32
    %scan3A_28 = arith.constant 1 : i32
    scf.for %scan3A_40 = %scan3A_25 to %scan3A_27 step %scan3A_28  : i32 {
      %mul3A_41 = arith.constant 4 : i32
      %mul3A_42 = arith.muli %scan3A_40, %mul3A_41 : i32
      %add3A_43 = arith.constant 0 : i32
      %add3A_44 = arith.addi %add3A_43, %mul3A_42 : i32
      %add3A_45 = arith.constant 0 : i32
      %add3A_46 = arith.addi %add3A_44, %add3A_45 : i32
      %sub3A = arith.constant 2 : i32
      %sub3A_47 = arith.subi %add3A_46, %sub3A : i32
      %ge3A = arith.constant 0 : i32
      %ge3A_48 = arith.cmpi sge, %sub3A_47, %ge3A : i32
      %lt3A_49 = arith.cmpi slt, %sub3A_47, %add3A_7 : i32
      %and3A_50 = arith.andi %ge3A_48, %lt3A_49 : i1
      %convert_element_type3A_51 = arith.extui %and3A_50 : i1 to i32
      %cond3A_52 = arith.constant 0 : i32
      %cond3A_53 = arith.cmpi ne, %convert_element_type3A_51, %cond3A_52 : i32
      scf.if %cond3A_53 {
        %dma_wait3A = arith.constant 0 : i32
        %dma_wait3A_139 = arith.constant 0 : i32
        %dma_wait3A_140 = arith.constant 0 : i32
        %dma_wait3A_141 = tpu.memref_slice %arg8[%dma_wait3A_139, %dma_wait3A_140] : memref<160x128xf32, #tpu.memory_space<vmem>> -> memref<80x128xf32, #tpu.memory_space<vmem>>
        %dma_wait3A_142 = arith.constant 0 : i32
        %dma_wait3A_143 = tpu.memref_slice %arg12[%dma_wait3A, %dma_wait3A_142] : memref<2x80xi32, #tpu.memory_space<vmem>> -> memref<1x80xi32, #tpu.memory_space<vmem>>
        %dma_wait3A_144 = tpu.memref_squeeze %dma_wait3A_143 : memref<1x80xi32, #tpu.memory_space<vmem>> -> memref<80xi32, #tpu.memory_space<vmem>>
        %dma_wait3A_145 = arith.constant 0 : i32
        %dma_wait3A_146 = arith.constant 0 : i32
        %dma_wait3A_147 = tpu.memref_slice %arg14[%dma_wait3A_145, %dma_wait3A_146] : memref<1024x128xf32, #tpu.memory_space<vmem_shared>> -> memref<1024x128xf32, #tpu.memory_space<vmem_shared>>
        tpu.wait_indirect_dma semaphore(%arg25 : memref<!tpu.dma_semaphore, #tpu.memory_space<semaphore_mem>>) src(%dma_wait3A_141 : memref<80x128xf32, #tpu.memory_space<vmem>>) dst(%dma_wait3A_147 : memref<1024x128xf32, #tpu.memory_space<vmem_shared>>)
        %dma_wait3A_148 = arith.constant 1 : i32
        %dma_wait3A_149 = arith.constant 80 : i32
        %dma_wait3A_150 = arith.constant 0 : i32
        %dma_wait3A_151 = tpu.memref_slice %arg8[%dma_wait3A_149, %dma_wait3A_150] : memref<160x128xf32, #tpu.memory_space<vmem>> -> memref<80x128xf32, #tpu.memory_space<vmem>>
        %dma_wait3A_152 = arith.constant 0 : i32
        %dma_wait3A_153 = tpu.memref_slice %arg12[%dma_wait3A_148, %dma_wait3A_152] : memref<2x80xi32, #tpu.memory_space<vmem>> -> memref<1x80xi32, #tpu.memory_space<vmem>>
        %dma_wait3A_154 = tpu.memref_squeeze %dma_wait3A_153 : memref<1x80xi32, #tpu.memory_space<vmem>> -> memref<80xi32, #tpu.memory_space<vmem>>
        %dma_wait3A_155 = arith.constant 0 : i32
        %dma_wait3A_156 = arith.constant 0 : i32
        %dma_wait3A_157 = tpu.memref_slice %arg14[%dma_wait3A_155, %dma_wait3A_156] : memref<1024x128xf32, #tpu.memory_space<vmem_shared>> -> memref<1024x128xf32, #tpu.memory_space<vmem_shared>>
        tpu.wait_indirect_dma semaphore(%arg25 : memref<!tpu.dma_semaphore, #tpu.memory_space<semaphore_mem>>) src(%dma_wait3A_151 : memref<80x128xf32, #tpu.memory_space<vmem>>) dst(%dma_wait3A_157 : memref<1024x128xf32, #tpu.memory_space<vmem_shared>>)
      } else {
      }
      %add3A_54 = arith.constant 2 : i32
      %add3A_55 = arith.addi %add3A_46, %add3A_54 : i32
      %ge3A_56 = arith.constant 0 : i32
      %ge3A_57 = arith.cmpi sge, %add3A_55, %ge3A_56 : i32
      %lt3A_58 = arith.cmpi slt, %add3A_55, %add3A_7 : i32
      %and3A_59 = arith.andi %ge3A_57, %lt3A_58 : i1
      %convert_element_type3A_60 = arith.extui %and3A_59 : i1 to i32
      %cond3A_61 = arith.constant 0 : i32
      %cond3A_62 = arith.cmpi ne, %convert_element_type3A_60, %cond3A_61 : i32
      scf.if %cond3A_62 {
        %add3A_139 = arith.addi %add3A_4, %add3A_55 : i32
        %mul3A_140 = arith.constant 160 : i32
        %mul3A_141 = arith.muli %add3A_139, %mul3A_140 : i32
        %dma_start3A = arith.constant 0 : i32
        %dma_start3A_142 = tpu.memref_slice %arg2[%mul3A_141, %dma_start3A] : memref<100000x128xf32, #tpu.memory_space<hbm>> -> memref<160x128xf32, #tpu.memory_space<hbm>>
        %dma_start3A_143 = arith.constant 0 : i32
        %dma_start3A_144 = tpu.memref_slice %arg2[%mul3A_141, %dma_start3A_143] : memref<100000x128xf32, #tpu.memory_space<hbm>> -> memref<160x128xf32, #tpu.memory_space<hbm>>
        tpu.enqueue_dma source(%dma_start3A_144 : memref<160x128xf32, #tpu.memory_space<hbm>>) target(%arg8 : memref<160x128xf32, #tpu.memory_space<vmem>>) target_semaphore(%arg17 : memref<!tpu.dma_semaphore, #tpu.memory_space<semaphore_mem>>)
        %mul3A_145 = arith.constant 160 : i32
        %mul3A_146 = arith.muli %add3A_139, %mul3A_145 : i32
        %add3A_147 = arith.constant 0 : i32
        %add3A_148 = arith.addi %mul3A_146, %add3A_147 : i32
        %dma_start3A_149 = arith.constant 0 : i32
        %dma_start3A_150 = arith.constant 0 : i32
        %dma_start3A_151 = tpu.memref_slice %arg12[%dma_start3A_149, %dma_start3A_150] : memref<2x80xi32, #tpu.memory_space<vmem>> -> memref<1x80xi32, #tpu.memory_space<vmem>>
        %dma_start3A_152 = tpu.memref_squeeze %dma_start3A_151 : memref<1x80xi32, #tpu.memory_space<vmem>> -> memref<80xi32, #tpu.memory_space<vmem>>
        %dma_start3A_153 = tpu.memref_slice %arg3[%add3A_148] : memref<100000xi32, #tpu.memory_space<hbm>> -> memref<80xi32, #tpu.memory_space<hbm>>
        %dma_start3A_154 = arith.constant 0 : i32
        %dma_start3A_155 = tpu.memref_slice %arg12[%dma_start3A_149, %dma_start3A_154] : memref<2x80xi32, #tpu.memory_space<vmem>> -> memref<1x80xi32, #tpu.memory_space<vmem>>
        %dma_start3A_156 = tpu.memref_squeeze %dma_start3A_155 : memref<1x80xi32, #tpu.memory_space<vmem>> -> memref<80xi32, #tpu.memory_space<vmem>>
        %dma_start3A_157 = tpu.memref_slice %arg3[%add3A_148] : memref<100000xi32, #tpu.memory_space<hbm>> -> memref<80xi32, #tpu.memory_space<hbm>>
        tpu.enqueue_dma source(%dma_start3A_157 : memref<80xi32, #tpu.memory_space<hbm>>) target(%dma_start3A_156 : memref<80xi32, #tpu.memory_space<vmem>>) target_semaphore(%arg21 : memref<!tpu.dma_semaphore, #tpu.memory_space<semaphore_mem>>)
        %mul3A_158 = arith.constant 160 : i32
        %mul3A_159 = arith.muli %add3A_139, %mul3A_158 : i32
        %add3A_160 = arith.constant 80 : i32
        %add3A_161 = arith.addi %mul3A_159, %add3A_160 : i32
        %dma_start3A_162 = arith.constant 1 : i32
        %dma_start3A_163 = arith.constant 0 : i32
        %dma_start3A_164 = tpu.memref_slice %arg12[%dma_start3A_162, %dma_start3A_163] : memref<2x80xi32, #tpu.memory_space<vmem>> -> memref<1x80xi32, #tpu.memory_space<vmem>>
        %dma_start3A_165 = tpu.memref_squeeze %dma_start3A_164 : memref<1x80xi32, #tpu.memory_space<vmem>> -> memref<80xi32, #tpu.memory_space<vmem>>
        %dma_start3A_166 = tpu.memref_slice %arg3[%add3A_161] : memref<100000xi32, #tpu.memory_space<hbm>> -> memref<80xi32, #tpu.memory_space<hbm>>
        %dma_start3A_167 = arith.constant 0 : i32
        %dma_start3A_168 = tpu.memref_slice %arg12[%dma_start3A_162, %dma_start3A_167] : memref<2x80xi32, #tpu.memory_space<vmem>> -> memref<1x80xi32, #tpu.memory_space<vmem>>
        %dma_start3A_169 = tpu.memref_squeeze %dma_start3A_168 : memref<1x80xi32, #tpu.memory_space<vmem>> -> memref<80xi32, #tpu.memory_space<vmem>>
        %dma_start3A_170 = tpu.memref_slice %arg3[%add3A_161] : memref<100000xi32, #tpu.memory_space<hbm>> -> memref<80xi32, #tpu.memory_space<hbm>>
        tpu.enqueue_dma source(%dma_start3A_170 : memref<80xi32, #tpu.memory_space<hbm>>) target(%dma_start3A_169 : memref<80xi32, #tpu.memory_space<vmem>>) target_semaphore(%arg21 : memref<!tpu.dma_semaphore, #tpu.memory_space<semaphore_mem>>)
      } else {
      }
      %lt3A_63 = arith.cmpi slt, %add3A_46, %add3A_7 : i32
      %convert_element_type3A_64 = arith.extui %lt3A_63 : i1 to i32
      %cond3A_65 = arith.constant 0 : i32
      %cond3A_66 = arith.cmpi ne, %convert_element_type3A_64, %cond3A_65 : i32
      scf.if %cond3A_66 {
        %add3A_139 = arith.addi %add3A_4, %add3A_46 : i32
        %mul3A_140 = arith.constant 160 : i32
        %mul3A_141 = arith.muli %add3A_139, %mul3A_140 : i32
        %dma_wait3A = arith.constant 0 : i32
        %dma_wait3A_142 = tpu.memref_slice %arg2[%mul3A_141, %dma_wait3A] : memref<100000x128xf32, #tpu.memory_space<hbm>> -> memref<160x128xf32, #tpu.memory_space<hbm>>
        %dma_wait3A_143 = arith.constant 0 : i32
        %dma_wait3A_144 = tpu.memref_slice %arg2[%mul3A_141, %dma_wait3A_143] : memref<100000x128xf32, #tpu.memory_space<hbm>> -> memref<160x128xf32, #tpu.memory_space<hbm>>
        tpu.wait_dma2 semaphore(%arg15 : memref<!tpu.dma_semaphore, #tpu.memory_space<semaphore_mem>>) src(%dma_wait3A_144 : memref<160x128xf32, #tpu.memory_space<hbm>>) dst(%arg6 : memref<160x128xf32, #tpu.memory_space<vmem>>)
        %mul3A_145 = arith.constant 160 : i32
        %mul3A_146 = arith.muli %add3A_139, %mul3A_145 : i32
        %add3A_147 = arith.constant 0 : i32
        %add3A_148 = arith.addi %mul3A_146, %add3A_147 : i32
        %dma_wait3A_149 = arith.constant 0 : i32
        %dma_wait3A_150 = arith.constant 0 : i32
        %dma_wait3A_151 = tpu.memref_slice %arg10[%dma_wait3A_149, %dma_wait3A_150] : memref<2x80xi32, #tpu.memory_space<vmem>> -> memref<1x80xi32, #tpu.memory_space<vmem>>
        %dma_wait3A_152 = tpu.memref_squeeze %dma_wait3A_151 : memref<1x80xi32, #tpu.memory_space<vmem>> -> memref<80xi32, #tpu.memory_space<vmem>>
        %dma_wait3A_153 = tpu.memref_slice %arg3[%add3A_148] : memref<100000xi32, #tpu.memory_space<hbm>> -> memref<80xi32, #tpu.memory_space<hbm>>
        %dma_wait3A_154 = arith.constant 0 : i32
        %dma_wait3A_155 = tpu.memref_slice %arg10[%dma_wait3A_149, %dma_wait3A_154] : memref<2x80xi32, #tpu.memory_space<vmem>> -> memref<1x80xi32, #tpu.memory_space<vmem>>
        %dma_wait3A_156 = tpu.memref_squeeze %dma_wait3A_155 : memref<1x80xi32, #tpu.memory_space<vmem>> -> memref<80xi32, #tpu.memory_space<vmem>>
        %dma_wait3A_157 = tpu.memref_slice %arg3[%add3A_148] : memref<100000xi32, #tpu.memory_space<hbm>> -> memref<80xi32, #tpu.memory_space<hbm>>
        tpu.wait_dma2 semaphore(%arg19 : memref<!tpu.dma_semaphore, #tpu.memory_space<semaphore_mem>>) src(%dma_wait3A_157 : memref<80xi32, #tpu.memory_space<hbm>>) dst(%dma_wait3A_156 : memref<80xi32, #tpu.memory_space<vmem>>)
        %mul3A_158 = arith.constant 160 : i32
        %mul3A_159 = arith.muli %add3A_139, %mul3A_158 : i32
        %add3A_160 = arith.constant 80 : i32
        %add3A_161 = arith.addi %mul3A_159, %add3A_160 : i32
        %dma_wait3A_162 = arith.constant 1 : i32
        %dma_wait3A_163 = arith.constant 0 : i32
        %dma_wait3A_164 = tpu.memref_slice %arg10[%dma_wait3A_162, %dma_wait3A_163] : memref<2x80xi32, #tpu.memory_space<vmem>> -> memref<1x80xi32, #tpu.memory_space<vmem>>
        %dma_wait3A_165 = tpu.memref_squeeze %dma_wait3A_164 : memref<1x80xi32, #tpu.memory_space<vmem>> -> memref<80xi32, #tpu.memory_space<vmem>>
        %dma_wait3A_166 = tpu.memref_slice %arg3[%add3A_161] : memref<100000xi32, #tpu.memory_space<hbm>> -> memref<80xi32, #tpu.memory_space<hbm>>
        %dma_wait3A_167 = arith.constant 0 : i32
        %dma_wait3A_168 = tpu.memref_slice %arg10[%dma_wait3A_162, %dma_wait3A_167] : memref<2x80xi32, #tpu.memory_space<vmem>> -> memref<1x80xi32, #tpu.memory_space<vmem>>
        %dma_wait3A_169 = tpu.memref_squeeze %dma_wait3A_168 : memref<1x80xi32, #tpu.memory_space<vmem>> -> memref<80xi32, #tpu.memory_space<vmem>>
        %dma_wait3A_170 = tpu.memref_slice %arg3[%add3A_161] : memref<100000xi32, #tpu.memory_space<hbm>> -> memref<80xi32, #tpu.memory_space<hbm>>
        tpu.wait_dma2 semaphore(%arg19 : memref<!tpu.dma_semaphore, #tpu.memory_space<semaphore_mem>>) src(%dma_wait3A_170 : memref<80xi32, #tpu.memory_space<hbm>>) dst(%dma_wait3A_169 : memref<80xi32, #tpu.memory_space<vmem>>)
        %dma_start3A = arith.constant 0 : i32
        %dma_start3A_171 = arith.constant 0 : i32
        %dma_start3A_172 = arith.constant 0 : i32
        %dma_start3A_173 = tpu.memref_slice %arg6[%dma_start3A_171, %dma_start3A_172] : memref<160x128xf32, #tpu.memory_space<vmem>> -> memref<80x128xf32, #tpu.memory_space<vmem>>
        %dma_start3A_174 = arith.constant 0 : i32
        %dma_start3A_175 = tpu.memref_slice %arg10[%dma_start3A, %dma_start3A_174] : memref<2x80xi32, #tpu.memory_space<vmem>> -> memref<1x80xi32, #tpu.memory_space<vmem>>
        %dma_start3A_176 = tpu.memref_squeeze %dma_start3A_175 : memref<1x80xi32, #tpu.memory_space<vmem>> -> memref<80xi32, #tpu.memory_space<vmem>>
        %dma_start3A_177 = arith.constant 0 : i32
        %dma_start3A_178 = arith.constant 0 : i32
        %dma_start3A_179 = tpu.memref_slice %arg14[%dma_start3A_177, %dma_start3A_178] : memref<1024x128xf32, #tpu.memory_space<vmem_shared>> -> memref<1024x128xf32, #tpu.memory_space<vmem_shared>>
        tpu.enqueue_indirect_dma source(%dma_start3A_173 : memref<80x128xf32, #tpu.memory_space<vmem>>) target(%dma_start3A_179 : memref<1024x128xf32, #tpu.memory_space<vmem_shared>>) offsets(%dma_start3A_176 : memref<80xi32, #tpu.memory_space<vmem>>) semaphore(%arg23 : memref<!tpu.dma_semaphore, #tpu.memory_space<semaphore_mem>>) {add = true}
        %dma_start3A_180 = arith.constant 1 : i32
        %dma_start3A_181 = arith.constant 80 : i32
        %dma_start3A_182 = arith.constant 0 : i32
        %dma_start3A_183 = tpu.memref_slice %arg6[%dma_start3A_181, %dma_start3A_182] : memref<160x128xf32, #tpu.memory_space<vmem>> -> memref<80x128xf32, #tpu.memory_space<vmem>>
        %dma_start3A_184 = arith.constant 0 : i32
        %dma_start3A_185 = tpu.memref_slice %arg10[%dma_start3A_180, %dma_start3A_184] : memref<2x80xi32, #tpu.memory_space<vmem>> -> memref<1x80xi32, #tpu.memory_space<vmem>>
        %dma_start3A_186 = tpu.memref_squeeze %dma_start3A_185 : memref<1x80xi32, #tpu.memory_space<vmem>> -> memref<80xi32, #tpu.memory_space<vmem>>
        %dma_start3A_187 = arith.constant 0 : i32
        %dma_start3A_188 = arith.constant 0 : i32
        %dma_start3A_189 = tpu.memref_slice %arg14[%dma_start3A_187, %dma_start3A_188] : memref<1024x128xf32, #tpu.memory_space<vmem_shared>> -> memref<1024x128xf32, #tpu.memory_space<vmem_shared>>
        tpu.enqueue_indirect_dma source(%dma_start3A_183 : memref<80x128xf32, #tpu.memory_space<vmem>>) target(%dma_start3A_189 : memref<1024x128xf32, #tpu.memory_space<vmem_shared>>) offsets(%dma_start3A_186 : memref<80xi32, #tpu.memory_space<vmem>>) semaphore(%arg23 : memref<!tpu.dma_semaphore, #tpu.memory_space<semaphore_mem>>) {add = true}
      } else {
      }
      %add3A_67 = arith.constant 1 : i32
      %add3A_68 = arith.addi %add3A_44, %add3A_67 : i32
      %sub3A_69 = arith.constant 2 : i32
      %sub3A_70 = arith.subi %add3A_68, %sub3A_69 : i32
      %ge3A_71 = arith.constant 0 : i32
      %ge3A_72 = arith.cmpi sge, %sub3A_70, %ge3A_71 : i32
      %lt3A_73 = arith.cmpi slt, %sub3A_70, %add3A_7 : i32
      %and3A_74 = arith.andi %ge3A_72, %lt3A_73 : i1
      %convert_element_type3A_75 = arith.extui %and3A_74 : i1 to i32
      %cond3A_76 = arith.constant 0 : i32
      %cond3A_77 = arith.cmpi ne, %convert_element_type3A_75, %cond3A_76 : i32
      scf.if %cond3A_77 {
        %dma_wait3A = arith.constant 0 : i32
        %dma_wait3A_139 = arith.constant 0 : i32
        %dma_wait3A_140 = arith.constant 0 : i32
        %dma_wait3A_141 = tpu.memref_slice %arg9[%dma_wait3A_139, %dma_wait3A_140] : memref<160x128xf32, #tpu.memory_space<vmem>> -> memref<80x128xf32, #tpu.memory_space<vmem>>
        %dma_wait3A_142 = arith.constant 0 : i32
        %dma_wait3A_143 = tpu.memref_slice %arg13[%dma_wait3A, %dma_wait3A_142] : memref<2x80xi32, #tpu.memory_space<vmem>> -> memref<1x80xi32, #tpu.memory_space<vmem>>
        %dma_wait3A_144 = tpu.memref_squeeze %dma_wait3A_143 : memref<1x80xi32, #tpu.memory_space<vmem>> -> memref<80xi32, #tpu.memory_space<vmem>>
        %dma_wait3A_145 = arith.constant 0 : i32
        %dma_wait3A_146 = arith.constant 0 : i32
        %dma_wait3A_147 = tpu.memref_slice %arg14[%dma_wait3A_145, %dma_wait3A_146] : memref<1024x128xf32, #tpu.memory_space<vmem_shared>> -> memref<1024x128xf32, #tpu.memory_space<vmem_shared>>
        tpu.wait_indirect_dma semaphore(%arg26 : memref<!tpu.dma_semaphore, #tpu.memory_space<semaphore_mem>>) src(%dma_wait3A_141 : memref<80x128xf32, #tpu.memory_space<vmem>>) dst(%dma_wait3A_147 : memref<1024x128xf32, #tpu.memory_space<vmem_shared>>)
        %dma_wait3A_148 = arith.constant 1 : i32
        %dma_wait3A_149 = arith.constant 80 : i32
        %dma_wait3A_150 = arith.constant 0 : i32
        %dma_wait3A_151 = tpu.memref_slice %arg9[%dma_wait3A_149, %dma_wait3A_150] : memref<160x128xf32, #tpu.memory_space<vmem>> -> memref<80x128xf32, #tpu.memory_space<vmem>>
        %dma_wait3A_152 = arith.constant 0 : i32
        %dma_wait3A_153 = tpu.memref_slice %arg13[%dma_wait3A_148, %dma_wait3A_152] : memref<2x80xi32, #tpu.memory_space<vmem>> -> memref<1x80xi32, #tpu.memory_space<vmem>>
        %dma_wait3A_154 = tpu.memref_squeeze %dma_wait3A_153 : memref<1x80xi32, #tpu.memory_space<vmem>> -> memref<80xi32, #tpu.memory_space<vmem>>
        %dma_wait3A_155 = arith.constant 0 : i32
        %dma_wait3A_156 = arith.constant 0 : i32
        %dma_wait3A_157 = tpu.memref_slice %arg14[%dma_wait3A_155, %dma_wait3A_156] : memref<1024x128xf32, #tpu.memory_space<vmem_shared>> -> memref<1024x128xf32, #tpu.memory_space<vmem_shared>>
        tpu.wait_indirect_dma semaphore(%arg26 : memref<!tpu.dma_semaphore, #tpu.memory_space<semaphore_mem>>) src(%dma_wait3A_151 : memref<80x128xf32, #tpu.memory_space<vmem>>) dst(%dma_wait3A_157 : memref<1024x128xf32, #tpu.memory_space<vmem_shared>>)
      } else {
      }
      %add3A_78 = arith.constant 2 : i32
      %add3A_79 = arith.addi %add3A_68, %add3A_78 : i32
      %ge3A_80 = arith.constant 0 : i32
      %ge3A_81 = arith.cmpi sge, %add3A_79, %ge3A_80 : i32
      %lt3A_82 = arith.cmpi slt, %add3A_79, %add3A_7 : i32
      %and3A_83 = arith.andi %ge3A_81, %lt3A_82 : i1
      %convert_element_type3A_84 = arith.extui %and3A_83 : i1 to i32
      %cond3A_85 = arith.constant 0 : i32
      %cond3A_86 = arith.cmpi ne, %convert_element_type3A_84, %cond3A_85 : i32
      scf.if %cond3A_86 {
        %add3A_139 = arith.addi %add3A_4, %add3A_79 : i32
        %mul3A_140 = arith.constant 160 : i32
        %mul3A_141 = arith.muli %add3A_139, %mul3A_140 : i32
        %dma_start3A = arith.constant 0 : i32
        %dma_start3A_142 = tpu.memref_slice %arg2[%mul3A_141, %dma_start3A] : memref<100000x128xf32, #tpu.memory_space<hbm>> -> memref<160x128xf32, #tpu.memory_space<hbm>>
        %dma_start3A_143 = arith.constant 0 : i32
        %dma_start3A_144 = tpu.memref_slice %arg2[%mul3A_141, %dma_start3A_143] : memref<100000x128xf32, #tpu.memory_space<hbm>> -> memref<160x128xf32, #tpu.memory_space<hbm>>
        tpu.enqueue_dma source(%dma_start3A_144 : memref<160x128xf32, #tpu.memory_space<hbm>>) target(%arg9 : memref<160x128xf32, #tpu.memory_space<vmem>>) target_semaphore(%arg18 : memref<!tpu.dma_semaphore, #tpu.memory_space<semaphore_mem>>)
        %mul3A_145 = arith.constant 160 : i32
        %mul3A_146 = arith.muli %add3A_139, %mul3A_145 : i32
        %add3A_147 = arith.constant 0 : i32
        %add3A_148 = arith.addi %mul3A_146, %add3A_147 : i32
        %dma_start3A_149 = arith.constant 0 : i32
        %dma_start3A_150 = arith.constant 0 : i32
        %dma_start3A_151 = tpu.memref_slice %arg13[%dma_start3A_149, %dma_start3A_150] : memref<2x80xi32, #tpu.memory_space<vmem>> -> memref<1x80xi32, #tpu.memory_space<vmem>>
        %dma_start3A_152 = tpu.memref_squeeze %dma_start3A_151 : memref<1x80xi32, #tpu.memory_space<vmem>> -> memref<80xi32, #tpu.memory_space<vmem>>
        %dma_start3A_153 = tpu.memref_slice %arg3[%add3A_148] : memref<100000xi32, #tpu.memory_space<hbm>> -> memref<80xi32, #tpu.memory_space<hbm>>
        %dma_start3A_154 = arith.constant 0 : i32
        %dma_start3A_155 = tpu.memref_slice %arg13[%dma_start3A_149, %dma_start3A_154] : memref<2x80xi32, #tpu.memory_space<vmem>> -> memref<1x80xi32, #tpu.memory_space<vmem>>
        %dma_start3A_156 = tpu.memref_squeeze %dma_start3A_155 : memref<1x80xi32, #tpu.memory_space<vmem>> -> memref<80xi32, #tpu.memory_space<vmem>>
        %dma_start3A_157 = tpu.memref_slice %arg3[%add3A_148] : memref<100000xi32, #tpu.memory_space<hbm>> -> memref<80xi32, #tpu.memory_space<hbm>>
        tpu.enqueue_dma source(%dma_start3A_157 : memref<80xi32, #tpu.memory_space<hbm>>) target(%dma_start3A_156 : memref<80xi32, #tpu.memory_space<vmem>>) target_semaphore(%arg22 : memref<!tpu.dma_semaphore, #tpu.memory_space<semaphore_mem>>)
        %mul3A_158 = arith.constant 160 : i32
        %mul3A_159 = arith.muli %add3A_139, %mul3A_158 : i32
        %add3A_160 = arith.constant 80 : i32
        %add3A_161 = arith.addi %mul3A_159, %add3A_160 : i32
        %dma_start3A_162 = arith.constant 1 : i32
        %dma_start3A_163 = arith.constant 0 : i32
        %dma_start3A_164 = tpu.memref_slice %arg13[%dma_start3A_162, %dma_start3A_163] : memref<2x80xi32, #tpu.memory_space<vmem>> -> memref<1x80xi32, #tpu.memory_space<vmem>>
        %dma_start3A_165 = tpu.memref_squeeze %dma_start3A_164 : memref<1x80xi32, #tpu.memory_space<vmem>> -> memref<80xi32, #tpu.memory_space<vmem>>
        %dma_start3A_166 = tpu.memref_slice %arg3[%add3A_161] : memref<100000xi32, #tpu.memory_space<hbm>> -> memref<80xi32, #tpu.memory_space<hbm>>
        %dma_start3A_167 = arith.constant 0 : i32
        %dma_start3A_168 = tpu.memref_slice %arg13[%dma_start3A_162, %dma_start3A_167] : memref<2x80xi32, #tpu.memory_space<vmem>> -> memref<1x80xi32, #tpu.memory_space<vmem>>
        %dma_start3A_169 = tpu.memref_squeeze %dma_start3A_168 : memref<1x80xi32, #tpu.memory_space<vmem>> -> memref<80xi32, #tpu.memory_space<vmem>>
        %dma_start3A_170 = tpu.memref_slice %arg3[%add3A_161] : memref<100000xi32, #tpu.memory_space<hbm>> -> memref<80xi32, #tpu.memory_space<hbm>>
        tpu.enqueue_dma source(%dma_start3A_170 : memref<80xi32, #tpu.memory_space<hbm>>) target(%dma_start3A_169 : memref<80xi32, #tpu.memory_space<vmem>>) target_semaphore(%arg22 : memref<!tpu.dma_semaphore, #tpu.memory_space<semaphore_mem>>)
      } else {
      }
      %lt3A_87 = arith.cmpi slt, %add3A_68, %add3A_7 : i32
      %convert_element_type3A_88 = arith.extui %lt3A_87 : i1 to i32
      %cond3A_89 = arith.constant 0 : i32
      %cond3A_90 = arith.cmpi ne, %convert_element_type3A_88, %cond3A_89 : i32
      scf.if %cond3A_90 {
        %add3A_139 = arith.addi %add3A_4, %add3A_68 : i32
        %mul3A_140 = arith.constant 160 : i32
        %mul3A_141 = arith.muli %add3A_139, %mul3A_140 : i32
        %dma_wait3A = arith.constant 0 : i32
        %dma_wait3A_142 = tpu.memref_slice %arg2[%mul3A_141, %dma_wait3A] : memref<100000x128xf32, #tpu.memory_space<hbm>> -> memref<160x128xf32, #tpu.memory_space<hbm>>
        %dma_wait3A_143 = arith.constant 0 : i32
        %dma_wait3A_144 = tpu.memref_slice %arg2[%mul3A_141, %dma_wait3A_143] : memref<100000x128xf32, #tpu.memory_space<hbm>> -> memref<160x128xf32, #tpu.memory_space<hbm>>
        tpu.wait_dma2 semaphore(%arg16 : memref<!tpu.dma_semaphore, #tpu.memory_space<semaphore_mem>>) src(%dma_wait3A_144 : memref<160x128xf32, #tpu.memory_space<hbm>>) dst(%arg7 : memref<160x128xf32, #tpu.memory_space<vmem>>)
        %mul3A_145 = arith.constant 160 : i32
        %mul3A_146 = arith.muli %add3A_139, %mul3A_145 : i32
        %add3A_147 = arith.constant 0 : i32
        %add3A_148 = arith.addi %mul3A_146, %add3A_147 : i32
        %dma_wait3A_149 = arith.constant 0 : i32
        %dma_wait3A_150 = arith.constant 0 : i32
        %dma_wait3A_151 = tpu.memref_slice %arg11[%dma_wait3A_149, %dma_wait3A_150] : memref<2x80xi32, #tpu.memory_space<vmem>> -> memref<1x80xi32, #tpu.memory_space<vmem>>
        %dma_wait3A_152 = tpu.memref_squeeze %dma_wait3A_151 : memref<1x80xi32, #tpu.memory_space<vmem>> -> memref<80xi32, #tpu.memory_space<vmem>>
        %dma_wait3A_153 = tpu.memref_slice %arg3[%add3A_148] : memref<100000xi32, #tpu.memory_space<hbm>> -> memref<80xi32, #tpu.memory_space<hbm>>
        %dma_wait3A_154 = arith.constant 0 : i32
        %dma_wait3A_155 = tpu.memref_slice %arg11[%dma_wait3A_149, %dma_wait3A_154] : memref<2x80xi32, #tpu.memory_space<vmem>> -> memref<1x80xi32, #tpu.memory_space<vmem>>
        %dma_wait3A_156 = tpu.memref_squeeze %dma_wait3A_155 : memref<1x80xi32, #tpu.memory_space<vmem>> -> memref<80xi32, #tpu.memory_space<vmem>>
        %dma_wait3A_157 = tpu.memref_slice %arg3[%add3A_148] : memref<100000xi32, #tpu.memory_space<hbm>> -> memref<80xi32, #tpu.memory_space<hbm>>
        tpu.wait_dma2 semaphore(%arg20 : memref<!tpu.dma_semaphore, #tpu.memory_space<semaphore_mem>>) src(%dma_wait3A_157 : memref<80xi32, #tpu.memory_space<hbm>>) dst(%dma_wait3A_156 : memref<80xi32, #tpu.memory_space<vmem>>)
        %mul3A_158 = arith.constant 160 : i32
        %mul3A_159 = arith.muli %add3A_139, %mul3A_158 : i32
        %add3A_160 = arith.constant 80 : i32
        %add3A_161 = arith.addi %mul3A_159, %add3A_160 : i32
        %dma_wait3A_162 = arith.constant 1 : i32
        %dma_wait3A_163 = arith.constant 0 : i32
        %dma_wait3A_164 = tpu.memref_slice %arg11[%dma_wait3A_162, %dma_wait3A_163] : memref<2x80xi32, #tpu.memory_space<vmem>> -> memref<1x80xi32, #tpu.memory_space<vmem>>
        %dma_wait3A_165 = tpu.memref_squeeze %dma_wait3A_164 : memref<1x80xi32, #tpu.memory_space<vmem>> -> memref<80xi32, #tpu.memory_space<vmem>>
        %dma_wait3A_166 = tpu.memref_slice %arg3[%add3A_161] : memref<100000xi32, #tpu.memory_space<hbm>> -> memref<80xi32, #tpu.memory_space<hbm>>
        %dma_wait3A_167 = arith.constant 0 : i32
        %dma_wait3A_168 = tpu.memref_slice %arg11[%dma_wait3A_162, %dma_wait3A_167] : memref<2x80xi32, #tpu.memory_space<vmem>> -> memref<1x80xi32, #tpu.memory_space<vmem>>
        %dma_wait3A_169 = tpu.memref_squeeze %dma_wait3A_168 : memref<1x80xi32, #tpu.memory_space<vmem>> -> memref<80xi32, #tpu.memory_space<vmem>>
        %dma_wait3A_170 = tpu.memref_slice %arg3[%add3A_161] : memref<100000xi32, #tpu.memory_space<hbm>> -> memref<80xi32, #tpu.memory_space<hbm>>
        tpu.wait_dma2 semaphore(%arg20 : memref<!tpu.dma_semaphore, #tpu.memory_space<semaphore_mem>>) src(%dma_wait3A_170 : memref<80xi32, #tpu.memory_space<hbm>>) dst(%dma_wait3A_169 : memref<80xi32, #tpu.memory_space<vmem>>)
        %dma_start3A = arith.constant 0 : i32
        %dma_start3A_171 = arith.constant 0 : i32
        %dma_start3A_172 = arith.constant 0 : i32
        %dma_start3A_173 = tpu.memref_slice %arg7[%dma_start3A_171, %dma_start3A_172] : memref<160x128xf32, #tpu.memory_space<vmem>> -> memref<80x128xf32, #tpu.memory_space<vmem>>
        %dma_start3A_174 = arith.constant 0 : i32
        %dma_start3A_175 = tpu.memref_slice %arg11[%dma_start3A, %dma_start3A_174] : memref<2x80xi32, #tpu.memory_space<vmem>> -> memref<1x80xi32, #tpu.memory_space<vmem>>
        %dma_start3A_176 = tpu.memref_squeeze %dma_start3A_175 : memref<1x80xi32, #tpu.memory_space<vmem>> -> memref<80xi32, #tpu.memory_space<vmem>>
        %dma_start3A_177 = arith.constant 0 : i32
        %dma_start3A_178 = arith.constant 0 : i32
        %dma_start3A_179 = tpu.memref_slice %arg14[%dma_start3A_177, %dma_start3A_178] : memref<1024x128xf32, #tpu.memory_space<vmem_shared>> -> memref<1024x128xf32, #tpu.memory_space<vmem_shared>>
        tpu.enqueue_indirect_dma source(%dma_start3A_173 : memref<80x128xf32, #tpu.memory_space<vmem>>) target(%dma_start3A_179 : memref<1024x128xf32, #tpu.memory_space<vmem_shared>>) offsets(%dma_start3A_176 : memref<80xi32, #tpu.memory_space<vmem>>) semaphore(%arg24 : memref<!tpu.dma_semaphore, #tpu.memory_space<semaphore_mem>>) {add = true}
        %dma_start3A_180 = arith.constant 1 : i32
        %dma_start3A_181 = arith.constant 80 : i32
        %dma_start3A_182 = arith.constant 0 : i32
        %dma_start3A_183 = tpu.memref_slice %arg7[%dma_start3A_181, %dma_start3A_182] : memref<160x128xf32, #tpu.memory_space<vmem>> -> memref<80x128xf32, #tpu.memory_space<vmem>>
        %dma_start3A_184 = arith.constant 0 : i32
        %dma_start3A_185 = tpu.memref_slice %arg11[%dma_start3A_180, %dma_start3A_184] : memref<2x80xi32, #tpu.memory_space<vmem>> -> memref<1x80xi32, #tpu.memory_space<vmem>>
        %dma_start3A_186 = tpu.memref_squeeze %dma_start3A_185 : memref<1x80xi32, #tpu.memory_space<vmem>> -> memref<80xi32, #tpu.memory_space<vmem>>
        %dma_start3A_187 = arith.constant 0 : i32
        %dma_start3A_188 = arith.constant 0 : i32
        %dma_start3A_189 = tpu.memref_slice %arg14[%dma_start3A_187, %dma_start3A_188] : memref<1024x128xf32, #tpu.memory_space<vmem_shared>> -> memref<1024x128xf32, #tpu.memory_space<vmem_shared>>
        tpu.enqueue_indirect_dma source(%dma_start3A_183 : memref<80x128xf32, #tpu.memory_space<vmem>>) target(%dma_start3A_189 : memref<1024x128xf32, #tpu.memory_space<vmem_shared>>) offsets(%dma_start3A_186 : memref<80xi32, #tpu.memory_space<vmem>>) semaphore(%arg24 : memref<!tpu.dma_semaphore, #tpu.memory_space<semaphore_mem>>) {add = true}
      } else {
      }
      %add3A_91 = arith.constant 2 : i32
      %add3A_92 = arith.addi %add3A_44, %add3A_91 : i32
      %sub3A_93 = arith.constant 2 : i32
      %sub3A_94 = arith.subi %add3A_92, %sub3A_93 : i32
      %ge3A_95 = arith.constant 0 : i32
      %ge3A_96 = arith.cmpi sge, %sub3A_94, %ge3A_95 : i32
      %lt3A_97 = arith.cmpi slt, %sub3A_94, %add3A_7 : i32
      %and3A_98 = arith.andi %ge3A_96, %lt3A_97 : i1
      %convert_element_type3A_99 = arith.extui %and3A_98 : i1 to i32
      %cond3A_100 = arith.constant 0 : i32
      %cond3A_101 = arith.cmpi ne, %convert_element_type3A_99, %cond3A_100 : i32
      scf.if %cond3A_101 {
        %dma_wait3A = arith.constant 0 : i32
        %dma_wait3A_139 = arith.constant 0 : i32
        %dma_wait3A_140 = arith.constant 0 : i32
        %dma_wait3A_141 = tpu.memref_slice %arg6[%dma_wait3A_139, %dma_wait3A_140] : memref<160x128xf32, #tpu.memory_space<vmem>> -> memref<80x128xf32, #tpu.memory_space<vmem>>
        %dma_wait3A_142 = arith.constant 0 : i32
        %dma_wait3A_143 = tpu.memref_slice %arg10[%dma_wait3A, %dma_wait3A_142] : memref<2x80xi32, #tpu.memory_space<vmem>> -> memref<1x80xi32, #tpu.memory_space<vmem>>
        %dma_wait3A_144 = tpu.memref_squeeze %dma_wait3A_143 : memref<1x80xi32, #tpu.memory_space<vmem>> -> memref<80xi32, #tpu.memory_space<vmem>>
        %dma_wait3A_145 = arith.constant 0 : i32
        %dma_wait3A_146 = arith.constant 0 : i32
        %dma_wait3A_147 = tpu.memref_slice %arg14[%dma_wait3A_145, %dma_wait3A_146] : memref<1024x128xf32, #tpu.memory_space<vmem_shared>> -> memref<1024x128xf32, #tpu.memory_space<vmem_shared>>
        tpu.wait_indirect_dma semaphore(%arg23 : memref<!tpu.dma_semaphore, #tpu.memory_space<semaphore_mem>>) src(%dma_wait3A_141 : memref<80x128xf32, #tpu.memory_space<vmem>>) dst(%dma_wait3A_147 : memref<1024x128xf32, #tpu.memory_space<vmem_shared>>)
        %dma_wait3A_148 = arith.constant 1 : i32
        %dma_wait3A_149 = arith.constant 80 : i32
        %dma_wait3A_150 = arith.constant 0 : i32
        %dma_wait3A_151 = tpu.memref_slice %arg6[%dma_wait3A_149, %dma_wait3A_150] : memref<160x128xf32, #tpu.memory_space<vmem>> -> memref<80x128xf32, #tpu.memory_space<vmem>>
        %dma_wait3A_152 = arith.constant 0 : i32
        %dma_wait3A_153 = tpu.memref_slice %arg10[%dma_wait3A_148, %dma_wait3A_152] : memref<2x80xi32, #tpu.memory_space<vmem>> -> memref<1x80xi32, #tpu.memory_space<vmem>>
        %dma_wait3A_154 = tpu.memref_squeeze %dma_wait3A_153 : memref<1x80xi32, #tpu.memory_space<vmem>> -> memref<80xi32, #tpu.memory_space<vmem>>
        %dma_wait3A_155 = arith.constant 0 : i32
        %dma_wait3A_156 = arith.constant 0 : i32
        %dma_wait3A_157 = tpu.memref_slice %arg14[%dma_wait3A_155, %dma_wait3A_156] : memref<1024x128xf32, #tpu.memory_space<vmem_shared>> -> memref<1024x128xf32, #tpu.memory_space<vmem_shared>>
        tpu.wait_indirect_dma semaphore(%arg23 : memref<!tpu.dma_semaphore, #tpu.memory_space<semaphore_mem>>) src(%dma_wait3A_151 : memref<80x128xf32, #tpu.memory_space<vmem>>) dst(%dma_wait3A_157 : memref<1024x128xf32, #tpu.memory_space<vmem_shared>>)
      } else {
      }
      %add3A_102 = arith.constant 2 : i32
      %add3A_103 = arith.addi %add3A_92, %add3A_102 : i32
      %ge3A_104 = arith.constant 0 : i32
      %ge3A_105 = arith.cmpi sge, %add3A_103, %ge3A_104 : i32
      %lt3A_106 = arith.cmpi slt, %add3A_103, %add3A_7 : i32
      %and3A_107 = arith.andi %ge3A_105, %lt3A_106 : i1
      %convert_element_type3A_108 = arith.extui %and3A_107 : i1 to i32
      %cond3A_109 = arith.constant 0 : i32
      %cond3A_110 = arith.cmpi ne, %convert_element_type3A_108, %cond3A_109 : i32
      scf.if %cond3A_110 {
        %add3A_139 = arith.addi %add3A_4, %add3A_103 : i32
        %mul3A_140 = arith.constant 160 : i32
        %mul3A_141 = arith.muli %add3A_139, %mul3A_140 : i32
        %dma_start3A = arith.constant 0 : i32
        %dma_start3A_142 = tpu.memref_slice %arg2[%mul3A_141, %dma_start3A] : memref<100000x128xf32, #tpu.memory_space<hbm>> -> memref<160x128xf32, #tpu.memory_space<hbm>>
        %dma_start3A_143 = arith.constant 0 : i32
        %dma_start3A_144 = tpu.memref_slice %arg2[%mul3A_141, %dma_start3A_143] : memref<100000x128xf32, #tpu.memory_space<hbm>> -> memref<160x128xf32, #tpu.memory_space<hbm>>
        tpu.enqueue_dma source(%dma_start3A_144 : memref<160x128xf32, #tpu.memory_space<hbm>>) target(%arg6 : memref<160x128xf32, #tpu.memory_space<vmem>>) target_semaphore(%arg15 : memref<!tpu.dma_semaphore, #tpu.memory_space<semaphore_mem>>)
        %mul3A_145 = arith.constant 160 : i32
        %mul3A_146 = arith.muli %add3A_139, %mul3A_145 : i32
        %add3A_147 = arith.constant 0 : i32
        %add3A_148 = arith.addi %mul3A_146, %add3A_147 : i32
        %dma_start3A_149 = arith.constant 0 : i32
        %dma_start3A_150 = arith.constant 0 : i32
        %dma_start3A_151 = tpu.memref_slice %arg10[%dma_start3A_149, %dma_start3A_150] : memref<2x80xi32, #tpu.memory_space<vmem>> -> memref<1x80xi32, #tpu.memory_space<vmem>>
        %dma_start3A_152 = tpu.memref_squeeze %dma_start3A_151 : memref<1x80xi32, #tpu.memory_space<vmem>> -> memref<80xi32, #tpu.memory_space<vmem>>
        %dma_start3A_153 = tpu.memref_slice %arg3[%add3A_148] : memref<100000xi32, #tpu.memory_space<hbm>> -> memref<80xi32, #tpu.memory_space<hbm>>
        %dma_start3A_154 = arith.constant 0 : i32
        %dma_start3A_155 = tpu.memref_slice %arg10[%dma_start3A_149, %dma_start3A_154] : memref<2x80xi32, #tpu.memory_space<vmem>> -> memref<1x80xi32, #tpu.memory_space<vmem>>
        %dma_start3A_156 = tpu.memref_squeeze %dma_start3A_155 : memref<1x80xi32, #tpu.memory_space<vmem>> -> memref<80xi32, #tpu.memory_space<vmem>>
        %dma_start3A_157 = tpu.memref_slice %arg3[%add3A_148] : memref<100000xi32, #tpu.memory_space<hbm>> -> memref<80xi32, #tpu.memory_space<hbm>>
        tpu.enqueue_dma source(%dma_start3A_157 : memref<80xi32, #tpu.memory_space<hbm>>) target(%dma_start3A_156 : memref<80xi32, #tpu.memory_space<vmem>>) target_semaphore(%arg19 : memref<!tpu.dma_semaphore, #tpu.memory_space<semaphore_mem>>)
        %mul3A_158 = arith.constant 160 : i32
        %mul3A_159 = arith.muli %add3A_139, %mul3A_158 : i32
        %add3A_160 = arith.constant 80 : i32
        %add3A_161 = arith.addi %mul3A_159, %add3A_160 : i32
        %dma_start3A_162 = arith.constant 1 : i32
        %dma_start3A_163 = arith.constant 0 : i32
        %dma_start3A_164 = tpu.memref_slice %arg10[%dma_start3A_162, %dma_start3A_163] : memref<2x80xi32, #tpu.memory_space<vmem>> -> memref<1x80xi32, #tpu.memory_space<vmem>>
        %dma_start3A_165 = tpu.memref_squeeze %dma_start3A_164 : memref<1x80xi32, #tpu.memory_space<vmem>> -> memref<80xi32, #tpu.memory_space<vmem>>
        %dma_start3A_166 = tpu.memref_slice %arg3[%add3A_161] : memref<100000xi32, #tpu.memory_space<hbm>> -> memref<80xi32, #tpu.memory_space<hbm>>
        %dma_start3A_167 = arith.constant 0 : i32
        %dma_start3A_168 = tpu.memref_slice %arg10[%dma_start3A_162, %dma_start3A_167] : memref<2x80xi32, #tpu.memory_space<vmem>> -> memref<1x80xi32, #tpu.memory_space<vmem>>
        %dma_start3A_169 = tpu.memref_squeeze %dma_start3A_168 : memref<1x80xi32, #tpu.memory_space<vmem>> -> memref<80xi32, #tpu.memory_space<vmem>>
        %dma_start3A_170 = tpu.memref_slice %arg3[%add3A_161] : memref<100000xi32, #tpu.memory_space<hbm>> -> memref<80xi32, #tpu.memory_space<hbm>>
        tpu.enqueue_dma source(%dma_start3A_170 : memref<80xi32, #tpu.memory_space<hbm>>) target(%dma_start3A_169 : memref<80xi32, #tpu.memory_space<vmem>>) target_semaphore(%arg19 : memref<!tpu.dma_semaphore, #tpu.memory_space<semaphore_mem>>)
      } else {
      }
      %lt3A_111 = arith.cmpi slt, %add3A_92, %add3A_7 : i32
      %convert_element_type3A_112 = arith.extui %lt3A_111 : i1 to i32
      %cond3A_113 = arith.constant 0 : i32
      %cond3A_114 = arith.cmpi ne, %convert_element_type3A_112, %cond3A_113 : i32
      scf.if %cond3A_114 {
        %add3A_139 = arith.addi %add3A_4, %add3A_92 : i32
        %mul3A_140 = arith.constant 160 : i32
        %mul3A_141 = arith.muli %add3A_139, %mul3A_140 : i32
        %dma_wait3A = arith.constant 0 : i32
        %dma_wait3A_142 = tpu.memref_slice %arg2[%mul3A_141, %dma_wait3A] : memref<100000x128xf32, #tpu.memory_space<hbm>> -> memref<160x128xf32, #tpu.memory_space<hbm>>
        %dma_wait3A_143 = arith.constant 0 : i32
        %dma_wait3A_144 = tpu.memref_slice %arg2[%mul3A_141, %dma_wait3A_143] : memref<100000x128xf32, #tpu.memory_space<hbm>> -> memref<160x128xf32, #tpu.memory_space<hbm>>
        tpu.wait_dma2 semaphore(%arg17 : memref<!tpu.dma_semaphore, #tpu.memory_space<semaphore_mem>>) src(%dma_wait3A_144 : memref<160x128xf32, #tpu.memory_space<hbm>>) dst(%arg8 : memref<160x128xf32, #tpu.memory_space<vmem>>)
        %mul3A_145 = arith.constant 160 : i32
        %mul3A_146 = arith.muli %add3A_139, %mul3A_145 : i32
        %add3A_147 = arith.constant 0 : i32
        %add3A_148 = arith.addi %mul3A_146, %add3A_147 : i32
        %dma_wait3A_149 = arith.constant 0 : i32
        %dma_wait3A_150 = arith.constant 0 : i32
        %dma_wait3A_151 = tpu.memref_slice %arg12[%dma_wait3A_149, %dma_wait3A_150] : memref<2x80xi32, #tpu.memory_space<vmem>> -> memref<1x80xi32, #tpu.memory_space<vmem>>
        %dma_wait3A_152 = tpu.memref_squeeze %dma_wait3A_151 : memref<1x80xi32, #tpu.memory_space<vmem>> -> memref<80xi32, #tpu.memory_space<vmem>>
        %dma_wait3A_153 = tpu.memref_slice %arg3[%add3A_148] : memref<100000xi32, #tpu.memory_space<hbm>> -> memref<80xi32, #tpu.memory_space<hbm>>
        %dma_wait3A_154 = arith.constant 0 : i32
        %dma_wait3A_155 = tpu.memref_slice %arg12[%dma_wait3A_149, %dma_wait3A_154] : memref<2x80xi32, #tpu.memory_space<vmem>> -> memref<1x80xi32, #tpu.memory_space<vmem>>
        %dma_wait3A_156 = tpu.memref_squeeze %dma_wait3A_155 : memref<1x80xi32, #tpu.memory_space<vmem>> -> memref<80xi32, #tpu.memory_space<vmem>>
        %dma_wait3A_157 = tpu.memref_slice %arg3[%add3A_148] : memref<100000xi32, #tpu.memory_space<hbm>> -> memref<80xi32, #tpu.memory_space<hbm>>
        tpu.wait_dma2 semaphore(%arg21 : memref<!tpu.dma_semaphore, #tpu.memory_space<semaphore_mem>>) src(%dma_wait3A_157 : memref<80xi32, #tpu.memory_space<hbm>>) dst(%dma_wait3A_156 : memref<80xi32, #tpu.memory_space<vmem>>)
        %mul3A_158 = arith.constant 160 : i32
        %mul3A_159 = arith.muli %add3A_139, %mul3A_158 : i32
        %add3A_160 = arith.constant 80 : i32
        %add3A_161 = arith.addi %mul3A_159, %add3A_160 : i32
        %dma_wait3A_162 = arith.constant 1 : i32
        %dma_wait3A_163 = arith.constant 0 : i32
        %dma_wait3A_164 = tpu.memref_slice %arg12[%dma_wait3A_162, %dma_wait3A_163] : memref<2x80xi32, #tpu.memory_space<vmem>> -> memref<1x80xi32, #tpu.memory_space<vmem>>
        %dma_wait3A_165 = tpu.memref_squeeze %dma_wait3A_164 : memref<1x80xi32, #tpu.memory_space<vmem>> -> memref<80xi32, #tpu.memory_space<vmem>>
        %dma_wait3A_166 = tpu.memref_slice %arg3[%add3A_161] : memref<100000xi32, #tpu.memory_space<hbm>> -> memref<80xi32, #tpu.memory_space<hbm>>
        %dma_wait3A_167 = arith.constant 0 : i32
        %dma_wait3A_168 = tpu.memref_slice %arg12[%dma_wait3A_162, %dma_wait3A_167] : memref<2x80xi32, #tpu.memory_space<vmem>> -> memref<1x80xi32, #tpu.memory_space<vmem>>
        %dma_wait3A_169 = tpu.memref_squeeze %dma_wait3A_168 : memref<1x80xi32, #tpu.memory_space<vmem>> -> memref<80xi32, #tpu.memory_space<vmem>>
        %dma_wait3A_170 = tpu.memref_slice %arg3[%add3A_161] : memref<100000xi32, #tpu.memory_space<hbm>> -> memref<80xi32, #tpu.memory_space<hbm>>
        tpu.wait_dma2 semaphore(%arg21 : memref<!tpu.dma_semaphore, #tpu.memory_space<semaphore_mem>>) src(%dma_wait3A_170 : memref<80xi32, #tpu.memory_space<hbm>>) dst(%dma_wait3A_169 : memref<80xi32, #tpu.memory_space<vmem>>)
        %dma_start3A = arith.constant 0 : i32
        %dma_start3A_171 = arith.constant 0 : i32
        %dma_start3A_172 = arith.constant 0 : i32
        %dma_start3A_173 = tpu.memref_slice %arg8[%dma_start3A_171, %dma_start3A_172] : memref<160x128xf32, #tpu.memory_space<vmem>> -> memref<80x128xf32, #tpu.memory_space<vmem>>
        %dma_start3A_174 = arith.constant 0 : i32
        %dma_start3A_175 = tpu.memref_slice %arg12[%dma_start3A, %dma_start3A_174] : memref<2x80xi32, #tpu.memory_space<vmem>> -> memref<1x80xi32, #tpu.memory_space<vmem>>
        %dma_start3A_176 = tpu.memref_squeeze %dma_start3A_175 : memref<1x80xi32, #tpu.memory_space<vmem>> -> memref<80xi32, #tpu.memory_space<vmem>>
        %dma_start3A_177 = arith.constant 0 : i32
        %dma_start3A_178 = arith.constant 0 : i32
        %dma_start3A_179 = tpu.memref_slice %arg14[%dma_start3A_177, %dma_start3A_178] : memref<1024x128xf32, #tpu.memory_space<vmem_shared>> -> memref<1024x128xf32, #tpu.memory_space<vmem_shared>>
        tpu.enqueue_indirect_dma source(%dma_start3A_173 : memref<80x128xf32, #tpu.memory_space<vmem>>) target(%dma_start3A_179 : memref<1024x128xf32, #tpu.memory_space<vmem_shared>>) offsets(%dma_start3A_176 : memref<80xi32, #tpu.memory_space<vmem>>) semaphore(%arg25 : memref<!tpu.dma_semaphore, #tpu.memory_space<semaphore_mem>>) {add = true}
        %dma_start3A_180 = arith.constant 1 : i32
        %dma_start3A_181 = arith.constant 80 : i32
        %dma_start3A_182 = arith.constant 0 : i32
        %dma_start3A_183 = tpu.memref_slice %arg8[%dma_start3A_181, %dma_start3A_182] : memref<160x128xf32, #tpu.memory_space<vmem>> -> memref<80x128xf32, #tpu.memory_space<vmem>>
        %dma_start3A_184 = arith.constant 0 : i32
        %dma_start3A_185 = tpu.memref_slice %arg12[%dma_start3A_180, %dma_start3A_184] : memref<2x80xi32, #tpu.memory_space<vmem>> -> memref<1x80xi32, #tpu.memory_space<vmem>>
        %dma_start3A_186 = tpu.memref_squeeze %dma_start3A_185 : memref<1x80xi32, #tpu.memory_space<vmem>> -> memref<80xi32, #tpu.memory_space<vmem>>
        %dma_start3A_187 = arith.constant 0 : i32
        %dma_start3A_188 = arith.constant 0 : i32
        %dma_start3A_189 = tpu.memref_slice %arg14[%dma_start3A_187, %dma_start3A_188] : memref<1024x128xf32, #tpu.memory_space<vmem_shared>> -> memref<1024x128xf32, #tpu.memory_space<vmem_shared>>
        tpu.enqueue_indirect_dma source(%dma_start3A_183 : memref<80x128xf32, #tpu.memory_space<vmem>>) target(%dma_start3A_189 : memref<1024x128xf32, #tpu.memory_space<vmem_shared>>) offsets(%dma_start3A_186 : memref<80xi32, #tpu.memory_space<vmem>>) semaphore(%arg25 : memref<!tpu.dma_semaphore, #tpu.memory_space<semaphore_mem>>) {add = true}
      } else {
      }
      %add3A_115 = arith.constant 3 : i32
      %add3A_116 = arith.addi %add3A_44, %add3A_115 : i32
      %sub3A_117 = arith.constant 2 : i32
      %sub3A_118 = arith.subi %add3A_116, %sub3A_117 : i32
      %ge3A_119 = arith.constant 0 : i32
      %ge3A_120 = arith.cmpi sge, %sub3A_118, %ge3A_119 : i32
      %lt3A_121 = arith.cmpi slt, %sub3A_118, %add3A_7 : i32
      %and3A_122 = arith.andi %ge3A_120, %lt3A_121 : i1
      %convert_element_type3A_123 = arith.extui %and3A_122 : i1 to i32
      %cond3A_124 = arith.constant 0 : i32
      %cond3A_125 = arith.cmpi ne, %convert_element_type3A_123, %cond3A_124 : i32
      scf.if %cond3A_125 {
        %dma_wait3A = arith.constant 0 : i32
        %dma_wait3A_139 = arith.constant 0 : i32
        %dma_wait3A_140 = arith.constant 0 : i32
        %dma_wait3A_141 = tpu.memref_slice %arg7[%dma_wait3A_139, %dma_wait3A_140] : memref<160x128xf32, #tpu.memory_space<vmem>> -> memref<80x128xf32, #tpu.memory_space<vmem>>
        %dma_wait3A_142 = arith.constant 0 : i32
        %dma_wait3A_143 = tpu.memref_slice %arg11[%dma_wait3A, %dma_wait3A_142] : memref<2x80xi32, #tpu.memory_space<vmem>> -> memref<1x80xi32, #tpu.memory_space<vmem>>
        %dma_wait3A_144 = tpu.memref_squeeze %dma_wait3A_143 : memref<1x80xi32, #tpu.memory_space<vmem>> -> memref<80xi32, #tpu.memory_space<vmem>>
        %dma_wait3A_145 = arith.constant 0 : i32
        %dma_wait3A_146 = arith.constant 0 : i32
        %dma_wait3A_147 = tpu.memref_slice %arg14[%dma_wait3A_145, %dma_wait3A_146] : memref<1024x128xf32, #tpu.memory_space<vmem_shared>> -> memref<1024x128xf32, #tpu.memory_space<vmem_shared>>
        tpu.wait_indirect_dma semaphore(%arg24 : memref<!tpu.dma_semaphore, #tpu.memory_space<semaphore_mem>>) src(%dma_wait3A_141 : memref<80x128xf32, #tpu.memory_space<vmem>>) dst(%dma_wait3A_147 : memref<1024x128xf32, #tpu.memory_space<vmem_shared>>)
        %dma_wait3A_148 = arith.constant 1 : i32
        %dma_wait3A_149 = arith.constant 80 : i32
        %dma_wait3A_150 = arith.constant 0 : i32
        %dma_wait3A_151 = tpu.memref_slice %arg7[%dma_wait3A_149, %dma_wait3A_150] : memref<160x128xf32, #tpu.memory_space<vmem>> -> memref<80x128xf32, #tpu.memory_space<vmem>>
        %dma_wait3A_152 = arith.constant 0 : i32
        %dma_wait3A_153 = tpu.memref_slice %arg11[%dma_wait3A_148, %dma_wait3A_152] : memref<2x80xi32, #tpu.memory_space<vmem>> -> memref<1x80xi32, #tpu.memory_space<vmem>>
        %dma_wait3A_154 = tpu.memref_squeeze %dma_wait3A_153 : memref<1x80xi32, #tpu.memory_space<vmem>> -> memref<80xi32, #tpu.memory_space<vmem>>
        %dma_wait3A_155 = arith.constant 0 : i32
        %dma_wait3A_156 = arith.constant 0 : i32
        %dma_wait3A_157 = tpu.memref_slice %arg14[%dma_wait3A_155, %dma_wait3A_156] : memref<1024x128xf32, #tpu.memory_space<vmem_shared>> -> memref<1024x128xf32, #tpu.memory_space<vmem_shared>>
        tpu.wait_indirect_dma semaphore(%arg24 : memref<!tpu.dma_semaphore, #tpu.memory_space<semaphore_mem>>) src(%dma_wait3A_151 : memref<80x128xf32, #tpu.memory_space<vmem>>) dst(%dma_wait3A_157 : memref<1024x128xf32, #tpu.memory_space<vmem_shared>>)
      } else {
      }
      %add3A_126 = arith.constant 2 : i32
      %add3A_127 = arith.addi %add3A_116, %add3A_126 : i32
      %ge3A_128 = arith.constant 0 : i32
      %ge3A_129 = arith.cmpi sge, %add3A_127, %ge3A_128 : i32
      %lt3A_130 = arith.cmpi slt, %add3A_127, %add3A_7 : i32
      %and3A_131 = arith.andi %ge3A_129, %lt3A_130 : i1
      %convert_element_type3A_132 = arith.extui %and3A_131 : i1 to i32
      %cond3A_133 = arith.constant 0 : i32
      %cond3A_134 = arith.cmpi ne, %convert_element_type3A_132, %cond3A_133 : i32
      scf.if %cond3A_134 {
        %add3A_139 = arith.addi %add3A_4, %add3A_127 : i32
        %mul3A_140 = arith.constant 160 : i32
        %mul3A_141 = arith.muli %add3A_139, %mul3A_140 : i32
        %dma_start3A = arith.constant 0 : i32
        %dma_start3A_142 = tpu.memref_slice %arg2[%mul3A_141, %dma_start3A] : memref<100000x128xf32, #tpu.memory_space<hbm>> -> memref<160x128xf32, #tpu.memory_space<hbm>>
        %dma_start3A_143 = arith.constant 0 : i32
        %dma_start3A_144 = tpu.memref_slice %arg2[%mul3A_141, %dma_start3A_143] : memref<100000x128xf32, #tpu.memory_space<hbm>> -> memref<160x128xf32, #tpu.memory_space<hbm>>
        tpu.enqueue_dma source(%dma_start3A_144 : memref<160x128xf32, #tpu.memory_space<hbm>>) target(%arg7 : memref<160x128xf32, #tpu.memory_space<vmem>>) target_semaphore(%arg16 : memref<!tpu.dma_semaphore, #tpu.memory_space<semaphore_mem>>)
        %mul3A_145 = arith.constant 160 : i32
        %mul3A_146 = arith.muli %add3A_139, %mul3A_145 : i32
        %add3A_147 = arith.constant 0 : i32
        %add3A_148 = arith.addi %mul3A_146, %add3A_147 : i32
        %dma_start3A_149 = arith.constant 0 : i32
        %dma_start3A_150 = arith.constant 0 : i32
        %dma_start3A_151 = tpu.memref_slice %arg11[%dma_start3A_149, %dma_start3A_150] : memref<2x80xi32, #tpu.memory_space<vmem>> -> memref<1x80xi32, #tpu.memory_space<vmem>>
        %dma_start3A_152 = tpu.memref_squeeze %dma_start3A_151 : memref<1x80xi32, #tpu.memory_space<vmem>> -> memref<80xi32, #tpu.memory_space<vmem>>
        %dma_start3A_153 = tpu.memref_slice %arg3[%add3A_148] : memref<100000xi32, #tpu.memory_space<hbm>> -> memref<80xi32, #tpu.memory_space<hbm>>
        %dma_start3A_154 = arith.constant 0 : i32
        %dma_start3A_155 = tpu.memref_slice %arg11[%dma_start3A_149, %dma_start3A_154] : memref<2x80xi32, #tpu.memory_space<vmem>> -> memref<1x80xi32, #tpu.memory_space<vmem>>
        %dma_start3A_156 = tpu.memref_squeeze %dma_start3A_155 : memref<1x80xi32, #tpu.memory_space<vmem>> -> memref<80xi32, #tpu.memory_space<vmem>>
        %dma_start3A_157 = tpu.memref_slice %arg3[%add3A_148] : memref<100000xi32, #tpu.memory_space<hbm>> -> memref<80xi32, #tpu.memory_space<hbm>>
        tpu.enqueue_dma source(%dma_start3A_157 : memref<80xi32, #tpu.memory_space<hbm>>) target(%dma_start3A_156 : memref<80xi32, #tpu.memory_space<vmem>>) target_semaphore(%arg20 : memref<!tpu.dma_semaphore, #tpu.memory_space<semaphore_mem>>)
        %mul3A_158 = arith.constant 160 : i32
        %mul3A_159 = arith.muli %add3A_139, %mul3A_158 : i32
        %add3A_160 = arith.constant 80 : i32
        %add3A_161 = arith.addi %mul3A_159, %add3A_160 : i32
        %dma_start3A_162 = arith.constant 1 : i32
        %dma_start3A_163 = arith.constant 0 : i32
        %dma_start3A_164 = tpu.memref_slice %arg11[%dma_start3A_162, %dma_start3A_163] : memref<2x80xi32, #tpu.memory_space<vmem>> -> memref<1x80xi32, #tpu.memory_space<vmem>>
        %dma_start3A_165 = tpu.memref_squeeze %dma_start3A_164 : memref<1x80xi32, #tpu.memory_space<vmem>> -> memref<80xi32, #tpu.memory_space<vmem>>
        %dma_start3A_166 = tpu.memref_slice %arg3[%add3A_161] : memref<100000xi32, #tpu.memory_space<hbm>> -> memref<80xi32, #tpu.memory_space<hbm>>
        %dma_start3A_167 = arith.constant 0 : i32
        %dma_start3A_168 = tpu.memref_slice %arg11[%dma_start3A_162, %dma_start3A_167] : memref<2x80xi32, #tpu.memory_space<vmem>> -> memref<1x80xi32, #tpu.memory_space<vmem>>
        %dma_start3A_169 = tpu.memref_squeeze %dma_start3A_168 : memref<1x80xi32, #tpu.memory_space<vmem>> -> memref<80xi32, #tpu.memory_space<vmem>>
        %dma_start3A_170 = tpu.memref_slice %arg3[%add3A_161] : memref<100000xi32, #tpu.memory_space<hbm>> -> memref<80xi32, #tpu.memory_space<hbm>>
        tpu.enqueue_dma source(%dma_start3A_170 : memref<80xi32, #tpu.memory_space<hbm>>) target(%dma_start3A_169 : memref<80xi32, #tpu.memory_space<vmem>>) target_semaphore(%arg20 : memref<!tpu.dma_semaphore, #tpu.memory_space<semaphore_mem>>)
      } else {
      }
      %lt3A_135 = arith.cmpi slt, %add3A_116, %add3A_7 : i32
      %convert_element_type3A_136 = arith.extui %lt3A_135 : i1 to i32
      %cond3A_137 = arith.constant 0 : i32
      %cond3A_138 = arith.cmpi ne, %convert_element_type3A_136, %cond3A_137 : i32
      scf.if %cond3A_138 {
        %add3A_139 = arith.addi %add3A_4, %add3A_116 : i32
        %mul3A_140 = arith.constant 160 : i32
        %mul3A_141 = arith.muli %add3A_139, %mul3A_140 : i32
        %dma_wait3A = arith.constant 0 : i32
        %dma_wait3A_142 = tpu.memref_slice %arg2[%mul3A_141, %dma_wait3A] : memref<100000x128xf32, #tpu.memory_space<hbm>> -> memref<160x128xf32, #tpu.memory_space<hbm>>
        %dma_wait3A_143 = arith.constant 0 : i32
        %dma_wait3A_144 = tpu.memref_slice %arg2[%mul3A_141, %dma_wait3A_143] : memref<100000x128xf32, #tpu.memory_space<hbm>> -> memref<160x128xf32, #tpu.memory_space<hbm>>
        tpu.wait_dma2 semaphore(%arg18 : memref<!tpu.dma_semaphore, #tpu.memory_space<semaphore_mem>>) src(%dma_wait3A_144 : memref<160x128xf32, #tpu.memory_space<hbm>>) dst(%arg9 : memref<160x128xf32, #tpu.memory_space<vmem>>)
        %mul3A_145 = arith.constant 160 : i32
        %mul3A_146 = arith.muli %add3A_139, %mul3A_145 : i32
        %add3A_147 = arith.constant 0 : i32
        %add3A_148 = arith.addi %mul3A_146, %add3A_147 : i32
        %dma_wait3A_149 = arith.constant 0 : i32
        %dma_wait3A_150 = arith.constant 0 : i32
        %dma_wait3A_151 = tpu.memref_slice %arg13[%dma_wait3A_149, %dma_wait3A_150] : memref<2x80xi32, #tpu.memory_space<vmem>> -> memref<1x80xi32, #tpu.memory_space<vmem>>
        %dma_wait3A_152 = tpu.memref_squeeze %dma_wait3A_151 : memref<1x80xi32, #tpu.memory_space<vmem>> -> memref<80xi32, #tpu.memory_space<vmem>>
        %dma_wait3A_153 = tpu.memref_slice %arg3[%add3A_148] : memref<100000xi32, #tpu.memory_space<hbm>> -> memref<80xi32, #tpu.memory_space<hbm>>
        %dma_wait3A_154 = arith.constant 0 : i32
        %dma_wait3A_155 = tpu.memref_slice %arg13[%dma_wait3A_149, %dma_wait3A_154] : memref<2x80xi32, #tpu.memory_space<vmem>> -> memref<1x80xi32, #tpu.memory_space<vmem>>
        %dma_wait3A_156 = tpu.memref_squeeze %dma_wait3A_155 : memref<1x80xi32, #tpu.memory_space<vmem>> -> memref<80xi32, #tpu.memory_space<vmem>>
        %dma_wait3A_157 = tpu.memref_slice %arg3[%add3A_148] : memref<100000xi32, #tpu.memory_space<hbm>> -> memref<80xi32, #tpu.memory_space<hbm>>
        tpu.wait_dma2 semaphore(%arg22 : memref<!tpu.dma_semaphore, #tpu.memory_space<semaphore_mem>>) src(%dma_wait3A_157 : memref<80xi32, #tpu.memory_space<hbm>>) dst(%dma_wait3A_156 : memref<80xi32, #tpu.memory_space<vmem>>)
        %mul3A_158 = arith.constant 160 : i32
        %mul3A_159 = arith.muli %add3A_139, %mul3A_158 : i32
        %add3A_160 = arith.constant 80 : i32
        %add3A_161 = arith.addi %mul3A_159, %add3A_160 : i32
        %dma_wait3A_162 = arith.constant 1 : i32
        %dma_wait3A_163 = arith.constant 0 : i32
        %dma_wait3A_164 = tpu.memref_slice %arg13[%dma_wait3A_162, %dma_wait3A_163] : memref<2x80xi32, #tpu.memory_space<vmem>> -> memref<1x80xi32, #tpu.memory_space<vmem>>
        %dma_wait3A_165 = tpu.memref_squeeze %dma_wait3A_164 : memref<1x80xi32, #tpu.memory_space<vmem>> -> memref<80xi32, #tpu.memory_space<vmem>>
        %dma_wait3A_166 = tpu.memref_slice %arg3[%add3A_161] : memref<100000xi32, #tpu.memory_space<hbm>> -> memref<80xi32, #tpu.memory_space<hbm>>
        %dma_wait3A_167 = arith.constant 0 : i32
        %dma_wait3A_168 = tpu.memref_slice %arg13[%dma_wait3A_162, %dma_wait3A_167] : memref<2x80xi32, #tpu.memory_space<vmem>> -> memref<1x80xi32, #tpu.memory_space<vmem>>
        %dma_wait3A_169 = tpu.memref_squeeze %dma_wait3A_168 : memref<1x80xi32, #tpu.memory_space<vmem>> -> memref<80xi32, #tpu.memory_space<vmem>>
        %dma_wait3A_170 = tpu.memref_slice %arg3[%add3A_161] : memref<100000xi32, #tpu.memory_space<hbm>> -> memref<80xi32, #tpu.memory_space<hbm>>
        tpu.wait_dma2 semaphore(%arg22 : memref<!tpu.dma_semaphore, #tpu.memory_space<semaphore_mem>>) src(%dma_wait3A_170 : memref<80xi32, #tpu.memory_space<hbm>>) dst(%dma_wait3A_169 : memref<80xi32, #tpu.memory_space<vmem>>)
        %dma_start3A = arith.constant 0 : i32
        %dma_start3A_171 = arith.constant 0 : i32
        %dma_start3A_172 = arith.constant 0 : i32
        %dma_start3A_173 = tpu.memref_slice %arg9[%dma_start3A_171, %dma_start3A_172] : memref<160x128xf32, #tpu.memory_space<vmem>> -> memref<80x128xf32, #tpu.memory_space<vmem>>
        %dma_start3A_174 = arith.constant 0 : i32
        %dma_start3A_175 = tpu.memref_slice %arg13[%dma_start3A, %dma_start3A_174] : memref<2x80xi32, #tpu.memory_space<vmem>> -> memref<1x80xi32, #tpu.memory_space<vmem>>
        %dma_start3A_176 = tpu.memref_squeeze %dma_start3A_175 : memref<1x80xi32, #tpu.memory_space<vmem>> -> memref<80xi32, #tpu.memory_space<vmem>>
        %dma_start3A_177 = arith.constant 0 : i32
        %dma_start3A_178 = arith.constant 0 : i32
        %dma_start3A_179 = tpu.memref_slice %arg14[%dma_start3A_177, %dma_start3A_178] : memref<1024x128xf32, #tpu.memory_space<vmem_shared>> -> memref<1024x128xf32, #tpu.memory_space<vmem_shared>>
        tpu.enqueue_indirect_dma source(%dma_start3A_173 : memref<80x128xf32, #tpu.memory_space<vmem>>) target(%dma_start3A_179 : memref<1024x128xf32, #tpu.memory_space<vmem_shared>>) offsets(%dma_start3A_176 : memref<80xi32, #tpu.memory_space<vmem>>) semaphore(%arg26 : memref<!tpu.dma_semaphore, #tpu.memory_space<semaphore_mem>>) {add = true}
        %dma_start3A_180 = arith.constant 1 : i32
        %dma_start3A_181 = arith.constant 80 : i32
        %dma_start3A_182 = arith.constant 0 : i32
        %dma_start3A_183 = tpu.memref_slice %arg9[%dma_start3A_181, %dma_start3A_182] : memref<160x128xf32, #tpu.memory_space<vmem>> -> memref<80x128xf32, #tpu.memory_space<vmem>>
        %dma_start3A_184 = arith.constant 0 : i32
        %dma_start3A_185 = tpu.memref_slice %arg13[%dma_start3A_180, %dma_start3A_184] : memref<2x80xi32, #tpu.memory_space<vmem>> -> memref<1x80xi32, #tpu.memory_space<vmem>>
        %dma_start3A_186 = tpu.memref_squeeze %dma_start3A_185 : memref<1x80xi32, #tpu.memory_space<vmem>> -> memref<80xi32, #tpu.memory_space<vmem>>
        %dma_start3A_187 = arith.constant 0 : i32
        %dma_start3A_188 = arith.constant 0 : i32
        %dma_start3A_189 = tpu.memref_slice %arg14[%dma_start3A_187, %dma_start3A_188] : memref<1024x128xf32, #tpu.memory_space<vmem_shared>> -> memref<1024x128xf32, #tpu.memory_space<vmem_shared>>
        tpu.enqueue_indirect_dma source(%dma_start3A_183 : memref<80x128xf32, #tpu.memory_space<vmem>>) target(%dma_start3A_189 : memref<1024x128xf32, #tpu.memory_space<vmem_shared>>) offsets(%dma_start3A_186 : memref<80xi32, #tpu.memory_space<vmem>>) semaphore(%arg26 : memref<!tpu.dma_semaphore, #tpu.memory_space<semaphore_mem>>) {add = true}
      } else {
      }
    }
    %scan3A_29 = arith.constant 6 : i32
    %barrier3A_30 = arith.constant 0 : index
    tpu.barrier barrier_id(%barrier3A_30)
    %eq3A = arith.constant 0 : i32
    %eq3A_31 = arith.cmpi eq, %arg0, %eq3A : i32
    %convert_element_type3A_32 = arith.extui %eq3A_31 : i1 to i32
    %cond3A_33 = arith.constant 0 : i32
    %cond3A_34 = arith.cmpi ne, %convert_element_type3A_32, %cond3A_33 : i32
    scf.if %cond3A_34 {
      %mul3A_40 = arith.constant 64 : i32
      %mul3A_41 = arith.muli %arg1, %mul3A_40 : i32
      %mul3A_42 = arith.constant 64 : i32
      %mul3A_43 = arith.muli %arg1, %mul3A_42 : i32
      "tpu.region"() ({
        %run_scoped3A = tpu.sem_alloc : memref<!tpu.dma_semaphore, #tpu.memory_space<semaphore_mem>>
        %dma_start3A = arith.constant 0 : i32
        %dma_start3A_44 = tpu.memref_slice %arg4[%mul3A_43, %dma_start3A] : memref<1024x128xf32, #tpu.memory_space<hbm>> -> memref<64x128xf32, #tpu.memory_space<hbm>>
        %dma_start3A_45 = arith.constant 0 : i32
        %dma_start3A_46 = tpu.memref_slice %arg14[%mul3A_41, %dma_start3A_45] : memref<1024x128xf32, #tpu.memory_space<vmem_shared>> -> memref<64x128xf32, #tpu.memory_space<vmem_shared>>
        tpu.enqueue_dma source(%dma_start3A_46 : memref<64x128xf32, #tpu.memory_space<vmem_shared>>) target(%dma_start3A_44 : memref<64x128xf32, #tpu.memory_space<hbm>>) target_semaphore(%run_scoped3A : memref<!tpu.dma_semaphore, #tpu.memory_space<semaphore_mem>>)
        %dma_wait3A = arith.constant 0 : i32
        %dma_wait3A_47 = tpu.memref_slice %arg4[%mul3A_43, %dma_wait3A] : memref<1024x128xf32, #tpu.memory_space<hbm>> -> memref<64x128xf32, #tpu.memory_space<hbm>>
        %dma_wait3A_48 = arith.constant 0 : i32
        %dma_wait3A_49 = tpu.memref_slice %arg14[%mul3A_41, %dma_wait3A_48] : memref<1024x128xf32, #tpu.memory_space<vmem_shared>> -> memref<64x128xf32, #tpu.memory_space<vmem_shared>>
        tpu.wait_dma2 semaphore(%run_scoped3A : memref<!tpu.dma_semaphore, #tpu.memory_space<semaphore_mem>>) src(%dma_wait3A_49 : memref<64x128xf32, #tpu.memory_space<vmem_shared>>) dst(%dma_wait3A_47 : memref<64x128xf32, #tpu.memory_space<hbm>>)
        tpu.yield
      }) : () -> ()
    } else {
    }
    %eq3A_35 = arith.constant 1 : i32
    %eq3A_36 = arith.cmpi eq, %arg0, %eq3A_35 : i32
    %convert_element_type3A_37 = arith.extui %eq3A_36 : i1 to i32
    %cond3A_38 = arith.constant 0 : i32
    %cond3A_39 = arith.cmpi ne, %convert_element_type3A_37, %cond3A_38 : i32
    scf.if %cond3A_39 {
      %mul3A_40 = arith.constant 64 : i32
      %mul3A_41 = arith.muli %arg1, %mul3A_40 : i32
      %mul3A_42 = arith.constant 64 : i32
      %mul3A_43 = arith.muli %arg1, %mul3A_42 : i32
      "tpu.region"() ({
        %run_scoped3A = tpu.sem_alloc : memref<!tpu.dma_semaphore, #tpu.memory_space<semaphore_mem>>
        %dma_start3A = arith.constant 0 : i32
        %dma_start3A_44 = tpu.memref_slice %arg5[%mul3A_43, %dma_start3A] : memref<1024x128xf32, #tpu.memory_space<hbm>> -> memref<64x128xf32, #tpu.memory_space<hbm>>
        %dma_start3A_45 = arith.constant 0 : i32
        %dma_start3A_46 = tpu.memref_slice %arg14[%mul3A_41, %dma_start3A_45] : memref<1024x128xf32, #tpu.memory_space<vmem_shared>> -> memref<64x128xf32, #tpu.memory_space<vmem_shared>>
        tpu.enqueue_dma source(%dma_start3A_46 : memref<64x128xf32, #tpu.memory_space<vmem_shared>>) target(%dma_start3A_44 : memref<64x128xf32, #tpu.memory_space<hbm>>) target_semaphore(%run_scoped3A : memref<!tpu.dma_semaphore, #tpu.memory_space<semaphore_mem>>)
        %dma_wait3A = arith.constant 0 : i32
        %dma_wait3A_47 = tpu.memref_slice %arg5[%mul3A_43, %dma_wait3A] : memref<1024x128xf32, #tpu.memory_space<hbm>> -> memref<64x128xf32, #tpu.memory_space<hbm>>
        %dma_wait3A_48 = arith.constant 0 : i32
        %dma_wait3A_49 = tpu.memref_slice %arg14[%mul3A_41, %dma_wait3A_48] : memref<1024x128xf32, #tpu.memory_space<vmem_shared>> -> memref<64x128xf32, #tpu.memory_space<vmem_shared>>
        tpu.wait_dma2 semaphore(%run_scoped3A : memref<!tpu.dma_semaphore, #tpu.memory_space<semaphore_mem>>) src(%dma_wait3A_49 : memref<64x128xf32, #tpu.memory_space<vmem_shared>>) dst(%dma_wait3A_47 : memref<64x128xf32, #tpu.memory_space<hbm>>)
        tpu.yield
      }) : () -> ()
    } else {
    }
    return
  }
}

module attributes {stable_mosaic.version = 14 : i64} {
  func.func @_combine_body(%arg0: memref<1024x128xf32, #tpu.memory_space<vmem>>, %arg1: memref<1024x128xf32, #tpu.memory_space<vmem>>, %arg2: memref<1024x128xf32, #tpu.memory_space<vmem>>) attributes {dimension_semantics = [], scalar_prefetch = 0 : i64, scratch_operands = 0 : i64, tpu.core_type = #tpu.core_type<tc>} {
    %get3A = arith.constant 0 : index
    %get3A_0 = arith.constant 0 : index
    %get3A_1 = vector.load %arg0[%get3A, %get3A_0] : memref<1024x128xf32, #tpu.memory_space<vmem>>, vector<1024x128xf32>
    %get3A_2 = arith.constant 0 : index
    %get3A_3 = arith.constant 0 : index
    %get3A_4 = vector.load %arg1[%get3A_2, %get3A_3] : memref<1024x128xf32, #tpu.memory_space<vmem>>, vector<1024x128xf32>
    %add3A = arith.addf %get3A_1, %get3A_4 : vector<1024x128xf32>
    %swap3A = arith.constant 0 : index
    %swap3A_5 = arith.constant 0 : index
    %swap3A_6 = vector.load %arg2[%swap3A, %swap3A_5] : memref<1024x128xf32, #tpu.memory_space<vmem>>, vector<1024x128xf32>
    tpu.vector_store %arg2[%swap3A, %swap3A_5], %add3A {strides = array<i32>} : memref<1024x128xf32, #tpu.memory_space<vmem>>, vector<1024x128xf32>,
    return
  }
}

module attributes {stable_mosaic.version = 14 : i64} {
  func.func @_gate_body(%arg0: i32, %arg1: memref<10000x128xf32, #tpu.memory_space<vmem>>, %arg2: memref<128x1xf32, #tpu.memory_space<vmem>>, %arg3: memref<1xf32, #tpu.memory_space<vmem>>, %arg4: memref<10000x128xf32, #tpu.memory_space<vmem>>) attributes {dimension_semantics = [#tpu.dimension_semantics<arbitrary>], iteration_bounds = array<i64: 10>, scalar_prefetch = 0 : i64, scratch_operands = 0 : i64, tpu.core_type = #tpu.core_type<tc>, window_params = [{transform_indices = @transform_0, window_bounds = array<i64: 10000, 128>}, {pipeline_mode = #tpu.pipeline_mode<synchronous>, transform_indices = @transform_1, window_bounds = array<i64: 128, 1>}, {pipeline_mode = #tpu.pipeline_mode<synchronous>, transform_indices = @transform_2, window_bounds = array<i64: 1>}, {transform_indices = @transform_3, window_bounds = array<i64: 10000, 128>}]} {
    %get3A = arith.constant 0 : index
    %get3A_0 = arith.constant 0 : index
    %get3A_1 = vector.load %arg1[%get3A, %get3A_0] : memref<10000x128xf32, #tpu.memory_space<vmem>>, vector<10000x128xf32>
    %get3A_2 = arith.constant 0 : index
    %get3A_3 = arith.constant 0 : index
    %get3A_4 = vector.load %arg2[%get3A_2, %get3A_3] : memref<128x1xf32, #tpu.memory_space<vmem>>, vector<128x1xf32>
    %dot_general3A = arith.constant dense<0.000000e+00> : vector<10000x1xf32>
    %dot_general3A_5 = tpu.matmul %get3A_1, %get3A_4, %dot_general3A {dimension_numbers = #tpu.dot_dimension_numbers<[1], [0], [0], [1], [0, 0, 1, 1], [], []>, transpose_lhs_hint = false} : vector<10000x128xf32>, vector<128x1xf32>, vector<10000x1xf32> -> vector<10000x1xf32>
    %get3A_6 = arith.constant 0 : index
    %get3A_7 = vector.load %arg3[%get3A_6] : memref<1xf32, #tpu.memory_space<vmem>>, vector<1xf32>
    %get3A_8 = vector.extract %get3A_7[0] : f32 from vector<1xf32>
    %add3A = vector.broadcast %get3A_8 : f32 to vector<10000x1xf32>
    %add3A_9 = arith.addf %dot_general3A_5, %add3A : vector<10000x1xf32>
    %logistic3A = arith.negf %add3A_9 : vector<10000x1xf32>
    %logistic3A_10 = math.exp %logistic3A : vector<10000x1xf32>
    %logistic3A_11 = arith.constant 1.000000e+00 : f32
    %logistic3A_12 = vector.broadcast %logistic3A_11 : f32 to vector<10000x1xf32>
    %logistic3A_13 = arith.addf %logistic3A_12, %logistic3A_10 : vector<10000x1xf32>
    %logistic3A_14 = arith.divf %logistic3A_12, %logistic3A_13 : vector<10000x1xf32>
    %mul3A = vector.broadcast %logistic3A_14 : vector<10000x1xf32> to vector<10000x128xf32>
    %mul3A_15 = arith.mulf %get3A_1, %mul3A : vector<10000x128xf32>
    %swap3A = arith.constant 0 : index
    %swap3A_16 = arith.constant 0 : index
    %swap3A_17 = vector.load %arg4[%swap3A, %swap3A_16] : memref<10000x128xf32, #tpu.memory_space<vmem>>, vector<10000x128xf32>
    tpu.vector_store %arg4[%swap3A, %swap3A_16], %mul3A_15 {strides = array<i32>} : memref<10000x128xf32, #tpu.memory_space<vmem>>, vector<10000x128xf32>,
    return
  }
  func.func @transform_0(%arg0: i32) -> (i32, i32) {
    %c0_i32 = arith.constant 0 : i32
    %c0_i32_0 = arith.constant 0 : i32
    return %arg0, %c0_i32 : i32, i32
  }
  func.func @transform_1(%arg0: i32) -> (i32, i32) {
    %c0_i32 = arith.constant 0 : i32
    %c0_i32_0 = arith.constant 0 : i32
    %c0_i32_1 = arith.constant 0 : i32
    return %c0_i32, %c0_i32_0 : i32, i32
  }
  func.func @transform_2(%arg0: i32) -> i32 {
    %c0_i32 = arith.constant 0 : i32
    %c0_i32_0 = arith.constant 0 : i32
    return %c0_i32 : i32
  }
  func.func @transform_3(%arg0: i32) -> (i32, i32) {
    %c0_i32 = arith.constant 0 : i32
    %c0_i32_0 = arith.constant 0 : i32
    return %arg0, %c0_i32 : i32, i32
  }
}

</mosaic_0001>

<sc_bundles>
// kernel: kernel.5.cloned.1.call-start
scs
__scs_entry_jumppad:
0x0: {  	(pc) =	sbr.rel $0x88, $3  }
0x1: {  	(tag) =	ssettag $0x0;
	lr =	simm.s32 $0x1  }
0x2: {  	[smem:$0x3F9C] =	sst lr;
	_ =	strace $0xD0000000  }
0x3: {  	_ = 	snop  }
0x4: {  	_ = 	snop  }
0x5: {  	_ = 	snop  }
0x6: {  	_ = 	snop  }
0x7: {  	_ = 	snop  }
__scs_overlays_trampoline_lowered:
0x8: {  	[smem:$0x3FAB] =	sst s0  }
0x9: {  	[smem:$0x3FAC] =	sst s1  }
0xa: {  	[smem:$0x3FAD] =	sst s2  }
0xb: {  	[smem:$0x3FAE] =	sst s3  }
0xc: {  	[smem:$0x3FAF] =	sst s4  }
0xd: {  	[smem:$0x3FB0] =	sst s5  }
0xe: {  	[smem:$0x3FB1] =	sst s6  }
0xf: {  	[smem:$0x3FB2] =	sst s7  }
0x10: {  	[smem:$0x3FB3] =	sst s8  }
0x11: {  	[smem:$0x3FB4] =	sst s9;
	s0 =	simm.s32 @!p0 $0x0  }
0x12: {  	s1 =	sld [smem:$0x3F9A];
	s0 =	simm.s32 @p0 $0x1  }
0x13: {  	[smem:$0x3FB5] =	sst s0;
	s0 =	simm.s32 @!p1 $0x0  }
0x14: {  	s2 =	sld [smem:$0x3F99];
	s0 =	simm.s32 @p1 $0x1  }
0x15: {  	[smem:$0x3FB6] =	sst s0;
	s0 =	simm.s32 @!p2 $0x0  }
0x16: {  	s3 =	sld [smem:$0x3FDB];
	s0 =	simm.s32 @p2 $0x1  }
0x17: {  	s4 =	simm.s32 $0x1BF5;
	[smem:$0x3FB8] =	sst s0  }
0x18: {  	s0 =	sld [smem:$0x3F9B];
	_ =	swait.ge [sflag:s4], $0x0  }
0x19: {  	s7 =	sld [smem:$0x3F9C]  }
0x1a: {  	s8 =	sadd.s32 $0xFFFFE003, lr  }
0x1b: {  	s9 =	sadd.s32 $0xFFFFFEF7, lr;
	s5 =	simm.s32 $0xFFFFFFFF;
	p2 =	slt.u32 s8, $0xFFFFF086  }
0x1c: {  	p1 =	slt.u32 s9, $0xF7A;
	s5 =	simm.s32 @!p2 $0x0  }
0x1d: {  	s5 =	simm.s32 @p1 $0x1;
	p0 =	seq.s32 s7, s2  }
0x1e: {  	s7 =	smul.u32 @!p0 $0xF7A, s2;
	p2 =	seq.s32 @!p0 s5, $0x0  }
0x1f: {  	s9 =	smul.u32 $0xF7A, s1;
	s8 =	simm.s32 @!p0 $0x1BF5;
	p2 =	por !p2, p0  }
0x20: {  	[sflag:s8] =	ssyncset.s32 @!p0 $0xFFFFF086;
	s6 =	sadd.s32 @!p0 s3, s7;
	s7 =	simm.s32 @!p0 $0x108  }
0x21: {  	s3 =	sadd.s32 s3, s9;
	s6 =	sadd.s32 @!p0 $0x88, s6;
	s7 =	simm.s32 @p2 $0x1082  }
0x22: {  	[simem:s7], [sflag:s8] =	dma.local @!p0 [hbm:s6], $0xF7A  }
0x23: {  	s9 =	sor.u32 $0xD0000000, s2;
	s6 =	simm.s32 $0x108;
	_ =	swait.ge @!p0 [sflag:s8], $0x0  }
0x24: {  	s3 =	sadd.s32 $0x88, s3;
	s6 =	simm.s32 @!p1 $0x1082;
	[sflag:s4] =	ssyncset.s32 $0xFFFFF086  }
0x25: {  	[simem:s6], [sflag:s4] =	dma.local [hbm:s3], $0xF7A  }
0x26: {  	[smem:$0x3F9C] =	sst s1;
	(tag) =	ssettag s2;
	_ =	strace s9  }
0x27: {  	s1 =	sld [smem:$0x3FAC]  }
0x28: {  	s2 =	sld [smem:$0x3FAD]  }
0x29: {  	s4 =	sld [smem:$0x3FAF]  }
0x2a: {  	p0 =	seq.s32 s5, $0x0;
	s5 =	sld [smem:$0x3FB0]  }
0x2b: {  	s6 =	sld [smem:$0x3FB1]  }
0x2c: {  	s7 =	sld [smem:$0x3FB2]  }
0x2d: {  	s3 =	simm.s32 $0x108;
	s8 =	sld [smem:$0x3FB3]  }
0x2e: {  	s3 =	simm.s32 @!p0 $0x1082;
	s9 =	sld [smem:$0x3FB4]  }
0x2f: {  	lr =	sadd.s32 s0, s3;
	s0 =	sld [smem:$0x3FAB]  }
0x30: {  	s3 =	sld [smem:$0x3FAE]  }
0x31: {  	[smem:$0x3FB7] =	sst s10  }
0x32: {  	s10 =	sld [smem:$0x3FB5];
	_ =	sdelay $0x3  }
0x33: {  	p0 =	seq.s32 s10, $0x1;
	s10 =	sld [smem:$0x3FB7];
	_ =	sdelay $0x3  }
0x34: {  	[smem:$0x3FB7] =	sst s10  }
0x35: {  	s10 =	sld [smem:$0x3FB6];
	_ =	sdelay $0x3  }
0x36: {  	p1 =	seq.s32 s10, $0x1;
	s10 =	sld [smem:$0x3FB7];
	_ =	sdelay $0x3  }
0x37: {  	[smem:$0x3FB7] =	sst s10  }
0x38: {  	s10 =	sld [smem:$0x3FB8]  }
0x39: {  	_ = 	snop;
	(pc) =	sbr.ind lr, $3  }
0x3a: {  	_ = 	snop  }
0x3b: {  	_ = 	snop  }
0x3c: {  	p2 =	seq.s32 s10, $0x1;
	s10 =	sld [smem:$0x3FB7]  }
0x3d: {  	_ =	shalt  }
0x3e: {  	_ =	shalt  }
0x3f: {  	_ =	shalt  }
0x40: {  	_ =	shalt  }
0x41: {  	_ =	shalt  }
0x42: {  	_ =	shalt  }
0x43: {  	_ =	shalt  }
0x44: {  	_ =	shalt  }
0x45: {  	_ =	shalt  }
0x46: {  	_ =	shalt  }
0x47: {  	_ =	shalt  }
0x48: {  	_ =	shalt  }
0x49: {  	_ =	shalt  }
0x4a: {  	_ =	shalt  }
0x4b: {  	_ =	shalt  }
0x4c: {  	_ =	shalt  }
0x4d: {  	_ =	shalt  }
0x4e: {  	_ =	shalt  }
0x4f: {  	_ =	shalt  }
0x50: {  	_ =	shalt  }
0x51: {  	_ =	shalt  }
0x52: {  	_ =	shalt  }
0x53: {  	_ =	shalt  }
0x54: {  	_ =	shalt  }
0x55: {  	_ =	shalt  }
0x56: {  	_ =	shalt  }
0x57: {  	_ =	shalt  }
0x58: {  	_ =	shalt  }
0x59: {  	_ =	shalt  }
0x5a: {  	_ =	shalt  }
0x5b: {  	_ =	shalt  }
0x5c: {  	_ =	shalt  }
0x5d: {  	_ =	shalt  }
0x5e: {  	_ =	shalt  }
0x5f: {  	_ =	shalt  }
0x60: {  	_ =	shalt  }
0x61: {  	_ =	shalt  }
0x62: {  	_ =	shalt  }
0x63: {  	_ =	shalt  }
0x64: {  	_ =	shalt  }
0x65: {  	_ =	shalt  }
0x66: {  	_ =	shalt  }
0x67: {  	_ =	shalt  }
0x68: {  	_ =	shalt  }
0x69: {  	_ =	shalt  }
0x6a: {  	_ =	shalt  }
0x6b: {  	_ =	shalt  }
0x6c: {  	_ =	shalt  }
0x6d: {  	_ =	shalt  }
0x6e: {  	_ =	shalt  }
0x6f: {  	_ =	shalt  }
0x70: {  	_ =	shalt  }
0x71: {  	_ =	shalt  }
0x72: {  	_ =	shalt  }
0x73: {  	_ =	shalt  }
0x74: {  	_ =	shalt  }
0x75: {  	_ =	shalt  }
0x76: {  	_ =	shalt  }
0x77: {  	_ =	shalt  }
0x78: {  	_ =	shalt  }
0x79: {  	_ =	shalt  }
0x7a: {  	_ =	shalt  }
0x7b: {  	_ =	shalt  }
0x7c: {  	_ =	shalt  }
0x7d: {  	_ =	shalt  }
0x7e: {  	_ =	shalt  }
0x7f: {  	_ =	shalt  }
0x80: {  	_ =	shalt  }
0x81: {  	_ =	shalt  }
0x82: {  	_ =	shalt  }
0x83: {  	_ =	shalt  }
0x84: {  	_ =	shalt  }
0x85: {  	_ =	shalt  }
0x86: {  	_ =	shalt  }
0x87: {  	_ =	shalt  }
.Lfunc_end0:
.L_simem_size_0:
called_computation_lowered:
.L_overlay_start_0:
0x88: {  	s2 =	sld [smem:$0x3FD9]  }
0x89: {  	s3 =	sld [smem:$0x3FFE];
	_ =	sdelay $0x1  }
0x8a: {  	s1 =	srdreg.scid  }
0x8b: {  	s0 =	sand.u32 $0x1, s1  }
0x8c: {  	s17 =	sshll.u32 s0, $0xA;
	s2 =	sadd.s32 s3, s2  }
0x8d: {  	s2 =	sadd.s32 s2, s17  }
0x8e: {  	[smem:$0x3FC3] =	sst s2  }
0x8f: {  	_ = 	snop  }
0x90: {  	s2 =	sld [smem:$0x3FC8]  }
0x91: {  	s18 =	sld [smem:$0x3FD0];
	(tm) =	ssettm $0x1  }
0x92: {  	s4 =	sld [smem:$0x3FFB];
	_ =	sdelay $0x3  }
0x93: {  	_ =	strace s4  }
0x94: {  	s4 =	sld [smem:$0x3FFC];
	_ =	sdelay $0x3  }
0x95: {  	_ =	strace s4  }
0x96: {  	s4 =	sld [smem:$0x3FFD];
	_ =	sdelay $0x3  }
0x97: {  	_ =	strace s4  }
0x98: {  	_ =	strace $0x8FFFFFFF  }
0x99: {  	s19 =	sld [smem:$0x3FDB];
	_ =	sdelay $0x1  }
0x9a: {  	s5 =	simm.s32 $_scs_section_size  }
0x9b: {  	s6 =	simm.s32 $_size__tile_overlayer_lowered;
	s7 =	simm.s32 $_tile_overlayer_lowered  }
0x9c: {  	s22 =	simm.s32 $0x1BFF;
	s21 =	sshll.u32 s7, $0x1;
	s4 =	sadd.s32 s5, s19  }
0x9d: {  	s8 =	simm.s32 $0x0;
	s20 =	sshll.u32 s6, $0x1;
	s6 =	sadd.s32 s21, s4  }
0x9e: {  	[timem:s8], [sflag:s22] =	dma.local [hbm:s6], s20  }
0x9f: {  	_ =	swait.ge [sflag:s22], s20  }
0xa0: {  	s5 =	ssub.s32 $0x0, s20;
	[sflag:s22] =	ssyncset.done $0x0  }
0xa1: {  	[sflag:s22] =	ssyncadd.s32 s5;
	_ =	sdelay $0x1  }
0xa2: {  	s23 =	simm.s32 $0x1B8B  }
0xa3: {  	_ =	swait.ge [sflag:s23], $0x1  }
0xa4: {  	[sflag:s23] =	ssyncset.done $0x0  }
0xa5: {  	s25 =	simm.s32 $0x1B8E;
	s24 =	sld [smem:$0x3FFE];
	[sflag:s23] =	ssyncadd.s32 $0xFFFFFFFF  }
0xa6: {  	s26 =	simm.s32 $execute0_lowered;
	[smem:$0x3FD2] =	sst s25  }
0xa7: {  	s6 =	sshll.u32 s26, $0x1;
	_ =	strace $0x80000046;
	[dreg:$0x1] =	wrdreg $0xFFFFFFFF  }
0xa8: {  	s28 =	simm.s32 $_size_execute0_lowered;
	s4 =	sadd.s32 s4, s6;
	[dreg:$0x0] =	wrdreg $0x0  }
0xa9: {  	s6 =	sshll.u32 s28, $0x1;
	[dreg:$0x2] =	wrdreg s4  }
0xaa: {  	[dreg:$0x3] =	wrdreg s6  }
0xab: {  	[dreg:$0x4] =	wrdreg $0xC0  }
0xac: {  	_ =	task [dreg:s8], $0x5FFFF  }
0xad: {  	[dreg:$0x1] =	wrdreg $0xFFFFFFFF  }
0xae: {  	[dreg:$0x0] =	wrdreg $0x60  }
0xaf: {  	[dreg:$0x2] =	wrdreg s24  }
0xb0: {  	[dreg:$0x3] =	wrdreg s2  }
0xb1: {  	[dreg:$0x4] =	wrdreg s18  }
0xb2: {  	[dreg:$0x5] =	wrdreg $0x144000  }
0xb3: {  	[dreg:$0x6] =	wrdreg $0x9  }
0xb4: {  	_ =	task.clear_ibuf [dreg:s8], $0x7FFFF;
	_ =	strace $0x90000046  }
0xb5: {  	s29 =	simm.s32 $0x9;
	_ =	strace $0x80000048  }
0xb6: {  	_ =	swait.ge [sflag:s29], $0x1  }
0xb7: {  	[sflag:s29] =	ssyncadd.s32 $0xFFFFFFFF  }
0xb8: {  	_ =	strace $0x90000048  }
0xb9: {  	_ =	sfence  }
0xba: {  	s30 =	sld [smem:$0x0];
	_ =	sdelay $0x2  }
0xbb: {  	s31 =	sshll.u32 s1, $0xD;
	s1 =	sshrl.u32 s1, $0x2  }
0xbc: {  	s3 =	sand.u32 $0x4000, s31;
	s1 =	sadd.s32 s1, s30  }
0xbd: {  	s0 =	sor.u32 s3, s0;
	s1 =	sshll.u32 s1, $0x11  }
0xbe: {  	s0 =	sor.u32 s1, s0  }
0xbf: {  	s0 =	sadd.s32 $0x8F2B, s0  }
0xc0: {  	[sflag:s0] =	ssyncadd.remote.s32 $0x1  }
0xc1: {  	_ =	sfence.sel $0xFFFF  }
0xc2: {  	[dreg:$0x0] =	wrdreg $0xFFFFFFFF;
	(pc) =	sbr.abs _section_cstart, $3  }
0xc3: {  	[dreg:$0x1] =	wrdreg $0xFFFFFFFF  }
0xc4: {  	_ =	task.clear_ibuf [dreg:s8], $0x2FFFF;
	_ =	strace $0x9FFFFFFF  }
0xc5: {  	(tm) =	ssettm $0x7FFFFFFF  }
tec
execute0_lowered:
.L_overlay_start_1:
0x0: {  	(tag) =	ssettag $0x1  }
0x1: {  	s5 =	rddreg [dreg:$0x0]  }
0x2: {  	s0 =	rddreg [dreg:$0x1];
	s1 =	srdreg.scid  }
0x3: {  	s13 =	rddreg [dreg:$0x2];
	s14 =	sand.u32 $0x1, s1  }
0x4: {  	s1 =	stileid.u32;
	s18 =	smul.u32 $0xBE000, s14  }
0x5: {  	s2 =	rddreg [dreg:$0x3];
	s3 =	simm.s32 $0x0;
	s20 =	smul.u32 $0xBE00, s1  }
0x6: {  	s12 =	sadd.s32 $0xC00, s5;
	s16 =	sadd.s32 $0x187600, s5;
	s31 =	smul.u32 $0xBE00, s14  }
0x7: {  	s4 =	sshll.u32 s14, $0x4;
	s28 =	sshll.u32 s1, $0xD;
	s22 =	smul.u32 $0xBE0, s1  }
0x8: {  	s4 =	sor.u32 s1, s4;
	s5 =	sadd.s32 s28, s2;
	s28 =	smul.u32 $0x17C, s1  }
0x9: {  	[smem:$0x7FF] =	sst s3;
	s6 =	smul.u32 $0x13, s4;
	s15 =	smin.u32 s4, $0x11  }
0xa: {  	_ =	strace $0x80000047;
	s7 =	ssub.s32 $0x2, s14;
	s24 =	smul.u32 $0xA0, s15  }
0xb: {  	p0 =	slt.u32 s4, $0x11;
	s4 =	simm.s32 $0x14;
	s25 =	smul.u32 $0xA00, s15  }
0xc: {  	s4 =	simm.s32 @!p0 $0x13;
	p0 =	seq.s32 s14, $0x1;
	s14 =	smul.u32 $0x17C0, s14  }
0xd: {  	s8 =	sshrl.u32 s7, $0x1;
	s6 =	sadd.s32 s15, s6;
	s15 =	smul.u32 $0x14, s15  }
0xe: {  	s21 =	sshll.u32 s1, $0xA;
	s17 =	ssub.s32 s7, s8;
	s9 =	smul.u32 $0xA0, s6  }
0xf: {  	s19 =	sadd.s32 $0xFFFFFFFF, s4;
	s13 =	smov.u32 @p0 s16;
	s29 =	smul.u32 $0xA00, s6  }
0x10: {  	[dreg:$0x7] =	wrdreg s19;
	s13 =	sadd.s32 s13, s21;
	s14 =	sadd.s32 s14, s0  }
0x11: {  	s19 =	sadd.s32 s28, s14;
	s30 =	sshrl.u32 s9, $0x3;
	s10 =	sadd.s32 $0xA0, s9  }
0x12: {  	s7 =	sadd.s32 s12, s29;
	s15 =	sadd.s32 s15, s19;
	s6 =	sadd.s32 s0, s30  }
0x13: {  	s9 =	sshll.u32 s10, $0x4;
	s10 =	sshrl.u32 s10, $0x3;
	s8 =	sadd.s32 $0xA, s6  }
0x14: {  	s9 =	sadd.s32 s12, s9;
	s12 =	sadd.s32 s18, s12;
	s18 =	sadd.s32 s22, s31  }
0x15: {  	s10 =	sadd.s32 s0, s10;
	s11 =	sadd.s32 $0x1E, s6;
	s26 =	sadd.s32 s24, s18  }
0x16: {  	s23 =	sadd.s32 s20, s12;
	s12 =	smax.u32 s17, $0x1;
	s18 =	sadd.s32 $0x230, s26  }
0x17: {  	s20 =	sadd.s32 $0x190, s26;
	s30 =	sadd.s32 $0x2D0, s26;
	s18 =	sshrl.u32 s18, $0x3  }
0x18: {  	s29 =	sshrl.u32 s20, $0x3;
	s20 =	sshrl.u32 s30, $0x3;
	s18 =	sadd.s32 s18, s0  }
0x19: {  	s17 =	sadd.s32 $0x370, s26;
	s31 =	sadd.s32 s20, s0;
	[dreg:$0x6] =	wrdreg s18  }
0x1a: {  	s17 =	sshrl.u32 s17, $0x3;
	s18 =	sadd.s32 s29, s0;
	[dreg:$0x8] =	wrdreg s31  }
0x1b: {  	s16 =	sadd.s32 s25, s23;
	s0 =	sadd.s32 s17, s0;
	[dreg:$0x5] =	wrdreg s18  }
0x1c: {  	v0 =	vimm.f32 $0.0e+00;
	s14 =	sadd.s32 $0x1E00, s16;
	s16 =	simm.s32 $0xD;
	[dreg:$0x9] =	wrdreg s0  }
.LBB2_1:
0x1d: {  	s0 =	simm.s32 $0x0;
	s17 =	simm.s32 $0x200  }
.LBB2_2:
0x1e: {  	p0 =	sne.s32 s17, $0x7E00;
	[tilespmem:s0+$0x70] =	vst v0  }
0x1f: {  	[tilespmem:s0+$0x0] =	vst v0  }
0x20: {  	[tilespmem:s0+$0x10] =	vst v0  }
.Ltmp0:
0x21: {  	[tilespmem:s0+$0x20] =	vst v0;
	(pc) =	sbr.rel @p0 .LBB2_2-.Ltmp0, $4  }
0x22: {  	[tilespmem:s0+$0x30] =	vst v0  }
0x23: {  	[tilespmem:s0+$0x40] =	vst v0  }
0x24: {  	[tilespmem:s0+$0x50] =	vst v0  }
0x25: {  	[tilespmem:s0+$0x60] =	vst v0;
	s0 =	sshra.s32 s17, $0x2;
	s17 =	sadd.s32 $0x200, s17  }
0x26: {  	[tilespmem:s0+$0x70] =	vst v0  }
0x27: {  	[tilespmem:s0+$0x0] =	vst v0  }
0x28: {  	[tilespmem:s0+$0x10] =	vst v0  }
0x29: {  	[tilespmem:s0+$0x20] =	vst v0  }
0x2a: {  	[tilespmem:s0+$0x30] =	vst v0  }
0x2b: {  	[tilespmem:s0+$0x40] =	vst v0  }
0x2c: {  	[tilespmem:s0+$0x50] =	vst v0  }
0x2d: {  	[tilespmem:s0+$0x60] =	vst v0;
	s22 =	simm.s32 $0x0  }
0x2e: {  	[spmem:s5] =	stream.linear.scatter [tilespmem:s22], [sflag:$0xD], $0x2000, $0x38;
	[tilespmem:$0x16400] =	vst v63  }
0x2f: {  	_ =	swait.ge [sflag:s16], $0x2000  }
0x30: {  	[sflag:s16] =	ssyncset.done $0x0  }
0x31: {  	[sflag:s16] =	ssyncadd.s32 $0xFFFFE000  }
0x32: {  	[bflag:$0x0] =	sbarrier.arrive $0xFFFF  }
0x33: {  	[tilespmem:s22], [sflag:$0x1] =	stream.linear.gather [hbm4b:s7+s22], $0x5000, $0x38;
	[tilespmem:$0x16400] =	vst v63  }
0x34: {  	s23 =	simm.s32 $0x14000  }
0x35: {  	[tilespmem:s23], [sflag:$0x5] =	stream.linear.gather [hbm4b:s6+s22], $0x50, $0x38;
	[tilespmem:$0x16400] =	vst v63  }
0x36: {  	s24 =	simm.s32 $0x14080  }
0x37: {  	[tilespmem:s24], [sflag:$0x5] =	stream.linear.gather [hbm4b:s8+s22], $0x50, $0x38;
	[tilespmem:$0x16400] =	vst v63  }
0x38: {  	s25 =	simm.s32 $0x5000  }
0x39: {  	[tilespmem:s25], [sflag:$0x2] =	stream.linear.gather [hbm4b:s9+s22], $0x5000, $0x38;
	[tilespmem:$0x16400] =	vst v63  }
0x3a: {  	s26 =	simm.s32 $0x14100;
	p0 =	sle.u32 s4, $0xFFFFFFFE  }
0x3b: {  	[tilespmem:s26], [sflag:$0x6] =	stream.linear.gather [hbm4b:s10+s22], $0x50, $0x38;
	[tilespmem:$0x16400] =	vst v63  }
0x3c: {  	s30 =	simm.s32 $0x14180;
	s17 =	simm.s32 @!p0 $0xB  }
0x3d: {  	[tilespmem:s30], [sflag:$0x6] =	stream.linear.gather [hbm4b:s11+s22], $0x50, $0x38;
	[tilespmem:$0x16400] =	vst v63  }
0x3e: {  	_ =	swait.ge @!p0 [sflag:s17], $0x2800  }
0x3f: {  	[sflag:s17] =	ssyncset.done @!p0 $0x0  }
0x40: {  	[sflag:s17] =	ssyncadd.s32 @!p0 $0xFFFFD800  }
0x41: {  	p1 =	sle.u32 s4, $0x2;
	p2 =	sle.u32 s4, $0x0;
	_ =	swait.ge @!p0 [sflag:s17], $0x2800  }
0x42: {  	s18 =	sadd.s32 @!p1 $0x0, s15;
	s0 =	simm.s32 @!p1 $0xA000;
	[sflag:s17] =	ssyncset.done @!p0 $0x0  }
0x43: {  	s23 =	sadd.s32 @!p1 $0xFFFFF600, s14;
	s24 =	simm.s32 @!p1 $0x0;
	[sflag:s17] =	ssyncadd.s32 @!p0 $0xFFFFD800  }
0x44: {  	[tilespmem:s0], [sflag:$0x3] =	stream.linear.gather @!p1 [hbm4b:s23+s24], $0x5000, $0x38;
	[tilespmem:$0x16400] =	vst v63  }
0x45: {  	s25 =	rddreg [dreg:$0x5];
	s17 =	sadd.s32 @!p1 $0x28, s18;
	s18 =	simm.s32 @!p1 $0x14200  }
0x46: {  	[tilespmem:s18], [sflag:$0x7] =	stream.linear.gather @!p1 [hbm4b:s17+s24], $0x50, $0x38;
	[tilespmem:$0x16400] =	vst v63  }
0x47: {  	s25 =	sadd.s32 @!p1 $0x0, s25;
	s23 =	simm.s32 @!p2 $0x1;
	s17 =	simm.s32 @!p1 $0x14280  }
0x48: {  	[tilespmem:s17], [sflag:$0x7] =	stream.linear.gather @!p1 [hbm4b:s25+s24], $0x50, $0x38;
	[tilespmem:$0x16400] =	vst v63  }
0x49: {  	_ =	swait.ge @!p2 [sflag:s23], $0x5000  }
0x4a: {  	[sflag:s23] =	ssyncset.done @!p2 $0x0  }
0x4b: {  	[sflag:s23] =	ssyncadd.s32 @!p2 $0xFFFFB000;
	s23 =	simm.s32 @!p2 $0x5  }
0x4c: {  	_ =	swait.ge @!p2 [sflag:s23], $0x50  }
0x4d: {  	[sflag:s23] =	ssyncset.done @!p2 $0x0  }
0x4e: {  	[sflag:s23] =	ssyncadd.s32 @!p2 $0xFFFFFFB0  }
0x4f: {  	_ =	swait.ge @!p2 [sflag:s23], $0x50  }
0x50: {  	p3 =	sle.u32 s4, $0xFFFFFFFF;
	s26 =	simm.s32 @!p2 $0x0;
	[sflag:s23] =	ssyncset.done @!p2 $0x0  }
0x51: {  	s24 =	simm.s32 @!p2 $0x50;
	s25 =	simm.s32 @!p2 $0x14000;
	[sflag:s23] =	ssyncadd.s32 @!p2 $0xFFFFFFB0  }
0x52: {  	[spmem:s2] =	stream.indirect.scatter.add.f32 @!p2 [tilespmem:s26], [sflag:$0x9], $0x80, s25, s24, $0xb8;
	[tilespmem:$0x16400] =	vst v63  }
0x53: {  	s23 =	simm.s32 @!p2 $0x14080;
	s25 =	simm.s32 @!p2 $0x2800;
	s26 =	simm.s32 @!p3 $0xC  }
0x54: {  	[spmem:s2] =	stream.indirect.scatter.add.f32 @!p2 [tilespmem:s25], [sflag:$0x9], $0x80, s23, s24, $0xb8;
	[tilespmem:$0x16400] =	vst v63  }
0x55: {  	_ =	swait.ge @!p3 [sflag:s26], $0x2800  }
0x56: {  	[sflag:s26] =	ssyncset.done @!p3 $0x0  }
0x57: {  	[sflag:s26] =	ssyncadd.s32 @!p3 $0xFFFFD800  }
0x58: {  	p0 =	sle.u32 s4, $0x3;
	_ =	swait.ge @!p3 [sflag:s26], $0x2800  }
0x59: {  	s24 =	sadd.s32 @!p0 $0x0, s15;
	s23 =	simm.s32 @!p0 $0xF000;
	[sflag:s26] =	ssyncset.done @!p3 $0x0  }
0x5a: {  	s31 =	rddreg [dreg:$0x7];
	[sflag:s26] =	ssyncadd.s32 @!p3 $0xFFFFD800;
	s26 =	simm.s32 @!p0 $0x0  }
0x5b: {  	[tilespmem:s23], [sflag:$0x4] =	stream.linear.gather @!p0 [hbm4b:s14+s26], $0x5000, $0x38;
	[tilespmem:$0x16400] =	vst v63  }
0x5c: {  	s28 =	simm.s32 @!p0 $0x14300;
	s24 =	sadd.s32 @!p0 $0x3C, s24;
	s29 =	rddreg [dreg:$0x6]  }
0x5d: {  	[tilespmem:s28], [sflag:$0x8] =	stream.linear.gather @!p0 [hbm4b:s24+s26], $0x50, $0x38;
	[tilespmem:$0x16400] =	vst v63  }
0x5e: {  	p3 =	sle.u32 s31, $0x0;
	s24 =	sadd.s32 @!p0 $0x0, s29;
	s29 =	simm.s32 @!p0 $0x14380  }
0x5f: {  	[tilespmem:s29], [sflag:$0x8] =	stream.linear.gather @!p0 [hbm4b:s24+s26], $0x50, $0x38;
	[tilespmem:$0x16400] =	vst v63  }
0x60: {  	s24 =	simm.s32 @!p3 $0x2  }
0x61: {  	_ =	swait.ge @!p3 [sflag:s24], $0x5000  }
0x62: {  	[sflag:s24] =	ssyncset.done @!p3 $0x0  }
0x63: {  	[sflag:s24] =	ssyncadd.s32 @!p3 $0xFFFFB000;
	s24 =	simm.s32 @!p3 $0x6  }
0x64: {  	_ =	swait.ge @!p3 [sflag:s24], $0x50  }
0x65: {  	[sflag:s24] =	ssyncset.done @!p3 $0x0  }
0x66: {  	[sflag:s24] =	ssyncadd.s32 @!p3 $0xFFFFFFB0  }
0x67: {  	_ =	swait.ge @!p3 [sflag:s24], $0x50  }
0x68: {  	s25 =	simm.s32 @!p3 $0x5000;
	[sflag:s24] =	ssyncset.done @!p3 $0x0  }
0x69: {  	s26 =	simm.s32 @!p3 $0x14100;
	[sflag:s24] =	ssyncadd.s32 @!p3 $0xFFFFFFB0;
	s24 =	simm.s32 @!p3 $0x50  }
0x6a: {  	[spmem:s2] =	stream.indirect.scatter.add.f32 @!p3 [tilespmem:s25], [sflag:$0xA], $0x80, s26, s24, $0xb8;
	[tilespmem:$0x16400] =	vst v63  }
0x6b: {  	s30 =	simm.s32 @!p3 $0x7800;
	s25 =	simm.s32 @!p2 $0x9;
	s26 =	simm.s32 @!p3 $0x14180  }
0x6c: {  	[spmem:s2] =	stream.indirect.scatter.add.f32 @!p3 [tilespmem:s30], [sflag:$0xA], $0x80, s26, s24, $0xb8;
	[tilespmem:$0x16400] =	vst v63  }
0x6d: {  	_ =	swait.ge @!p2 [sflag:s25], $0x2800  }
0x6e: {  	[sflag:s25] =	ssyncset.done @!p2 $0x0  }
0x6f: {  	[sflag:s25] =	ssyncadd.s32 @!p2 $0xFFFFD800  }
0x70: {  	p4 =	sle.u32 s4, $0x4;
	_ =	swait.ge @!p2 [sflag:s25], $0x2800  }
0x71: {  	s24 =	sadd.s32 @!p4 $0xA00, s14;
	[sflag:s25] =	ssyncset.done @!p2 $0x0  }
0x72: {  	s26 =	simm.s32 @!p4 $0x0;
	s30 =	sadd.s32 @!p4 $0x0, s15;
	[sflag:s25] =	ssyncadd.s32 @!p2 $0xFFFFD800  }
0x73: {  	[tilespmem:s26], [sflag:$0x1] =	stream.linear.gather @!p4 [hbm4b:s24+s26], $0x5000, $0x38;
	[tilespmem:$0x16400] =	vst v63  }
0x74: {  	s25 =	rddreg [dreg:$0x8];
	s24 =	sadd.s32 @!p4 $0x50, s30;
	s30 =	simm.s32 @!p4 $0x14000  }
0x75: {  	[tilespmem:s30], [sflag:$0x5] =	stream.linear.gather @!p4 [hbm4b:s24+s26], $0x50, $0x38;
	[tilespmem:$0x16400] =	vst v63  }
0x76: {  	s24 =	sadd.s32 @!p4 $0x0, s25;
	s25 =	simm.s32 @!p4 $0x14080  }
0x77: {  	[tilespmem:s25], [sflag:$0x5] =	stream.linear.gather @!p4 [hbm4b:s24+s26], $0x50, $0x38;
	[tilespmem:$0x16400] =	vst v63  }
0x78: {  	s24 =	simm.s32 @!p1 $0x3  }
0x79: {  	_ =	swait.ge @!p1 [sflag:s24], $0x5000  }
0x7a: {  	[sflag:s24] =	ssyncset.done @!p1 $0x0  }
0x7b: {  	[sflag:s24] =	ssyncadd.s32 @!p1 $0xFFFFB000;
	s24 =	simm.s32 @!p1 $0x7  }
0x7c: {  	_ =	swait.ge @!p1 [sflag:s24], $0x50  }
0x7d: {  	[sflag:s24] =	ssyncset.done @!p1 $0x0  }
0x7e: {  	[sflag:s24] =	ssyncadd.s32 @!p1 $0xFFFFFFB0  }
0x7f: {  	_ =	swait.ge @!p1 [sflag:s24], $0x50  }
0x80: {  	[sflag:s24] =	ssyncset.done @!p1 $0x0  }
0x81: {  	[sflag:s24] =	ssyncadd.s32 @!p1 $0xFFFFFFB0;
	s24 =	simm.s32 @!p1 $0x50  }
0x82: {  	[spmem:s2] =	stream.indirect.scatter.add.f32 @!p1 [tilespmem:s0], [sflag:$0xB], $0x80, s18, s24, $0xb8;
	[tilespmem:$0x16400] =	vst v63  }
0x83: {  	s0 =	simm.s32 @!p1 $0xC800;
	s18 =	simm.s32 @!p3 $0xA  }
0x84: {  	[spmem:s2] =	stream.indirect.scatter.add.f32 @!p1 [tilespmem:s0], [sflag:$0xB], $0x80, s17, s24, $0xb8;
	[tilespmem:$0x16400] =	vst v63  }
0x85: {  	_ =	swait.ge @!p3 [sflag:s18], $0x2800  }
0x86: {  	[sflag:s18] =	ssyncset.done @!p3 $0x0  }
0x87: {  	p2 =	sle.u32 s4, $0x5;
	[sflag:s18] =	ssyncadd.s32 @!p3 $0xFFFFD800  }
0x88: {  	s25 =	simm.s32 $0x4;
	s26 =	sadd.s32 $0x2800, s14;
	_ =	swait.ge @!p3 [sflag:s18], $0x2800  }
0x89: {  	s24 =	simm.s32 $0x50;
	s0 =	simm.s32 @!p2 $0x0;
	[sflag:s18] =	ssyncset.done @!p3 $0x0  }
0x8a: {  	s17 =	rddreg [dreg:$0x9];
	[sflag:s18] =	ssyncadd.s32 @!p3 $0xFFFFD800;
	s18 =	sadd.s32 @!p2 $0x1400, s14  }
.LBB2_4:
0x8b: {  	s30 =	simm.s32 @!p2 $0x5000;
	s31 =	sadd.s32 @!p2 s22, s15  }
0x8c: {  	[tilespmem:s30], [sflag:$0x2] =	stream.linear.gather @!p2 [hbm4b:s18+s0], $0x5000, $0x38;
	[tilespmem:$0x16400] =	vst v63  }
0x8d: {  	s19 =	simm.s32 @!p2 $0x14100;
	s18 =	sadd.s32 @!p2 $0x64, s31  }
0x8e: {  	[tilespmem:s19], [sflag:$0x6] =	stream.linear.gather @!p2 [hbm4b:s18+s0], $0x50, $0x38;
	[tilespmem:$0x16400] =	vst v63  }
0x8f: {  	s17 =	sadd.s32 @!p2 s22, s17;
	s30 =	simm.s32 @!p2 $0x14180;
	s18 =	simm.s32 @!p0 $0x4  }
0x90: {  	[tilespmem:s30], [sflag:$0x6] =	stream.linear.gather @!p2 [hbm4b:s17+s0], $0x50, $0x38;
	[tilespmem:$0x16400] =	vst v63  }
0x91: {  	_ =	swait.ge @!p0 [sflag:s18], $0x5000  }
0x92: {  	[sflag:s18] =	ssyncset.done @!p0 $0x0  }
0x93: {  	s17 =	simm.s32 @!p0 $0x8;
	[sflag:s18] =	ssyncadd.s32 @!p0 $0xFFFFB000  }
0x94: {  	_ =	swait.ge @!p0 [sflag:s17], $0x50  }
0x95: {  	[sflag:s17] =	ssyncset.done @!p0 $0x0  }
0x96: {  	s22 =	smov.u32 s24;
	s21 =	sadd.s32 $0x2, s25;
	[sflag:s17] =	ssyncadd.s32 @!p0 $0xFFFFFFB0  }
0x97: {  	s20 =	sadd.s32 $0xFFFFFFFE, s25;
	p2 =	sge.u32 s21, s4;
	_ =	swait.ge @!p0 [sflag:s17], $0x50  }
0x98: {  	p4 =	sge.u32 s20, s4;
	s0 =	sadd.s32 @!p2 s22, s15;
	[sflag:s17] =	ssyncset.done @!p0 $0x0  }
0x99: {  	s19 =	sadd.s32 @!p2 $0x28, s0;
	s0 =	simm.s32 @!p0 $0x50;
	[sflag:s17] =	ssyncadd.s32 @!p0 $0xFFFFFFB0  }
0x9a: {  	[spmem:s2] =	stream.indirect.scatter.add.f32 @!p0 [tilespmem:s23], [sflag:$0xC], $0x80, s28, s0, $0xb8;
	[tilespmem:$0x16400] =	vst v63  }
0x9b: {  	s18 =	simm.s32 @!p4 $0xB;
	s17 =	simm.s32 @!p0 $0x11800  }
0x9c: {  	[spmem:s2] =	stream.indirect.scatter.add.f32 @!p0 [tilespmem:s17], [sflag:$0xC], $0x80, s29, s0, $0xb8;
	[tilespmem:$0x16400] =	vst v63  }
0x9d: {  	_ =	swait.ge @!p4 [sflag:s18], $0x2800  }
0x9e: {  	[sflag:s18] =	ssyncset.done @!p4 $0x0  }
0x9f: {  	[sflag:s18] =	ssyncadd.s32 @!p4 $0xFFFFD800  }
0xa0: {  	_ =	swait.ge @!p4 [sflag:s18], $0x2800  }
0xa1: {  	s23 =	sadd.s32 @!p2 $0xFFFFF600, s26;
	[sflag:s18] =	ssyncset.done @!p4 $0x0  }
0xa2: {  	s28 =	simm.s32 @!p2 $0x0;
	s17 =	simm.s32 @!p2 $0xA000;
	[sflag:s18] =	ssyncadd.s32 @!p4 $0xFFFFD800  }
0xa3: {  	[tilespmem:s17], [sflag:$0x3] =	stream.linear.gather @!p2 [hbm4b:s23+s28], $0x5000, $0x38;
	[tilespmem:$0x16400] =	vst v63  }
0xa4: {  	p3 =	sge.u32 s25, s4;
	s29 =	rddreg [dreg:$0x5];
	s18 =	simm.s32 @!p2 $0x14200  }
0xa5: {  	[tilespmem:s18], [sflag:$0x7] =	stream.linear.gather @!p2 [hbm4b:s19+s28], $0x50, $0x38;
	[tilespmem:$0x16400] =	vst v63  }
0xa6: {  	s0 =	simm.s32 @!p2 $0x14280;
	s23 =	simm.s32 @!p3 $0x1;
	s19 =	sadd.s32 @!p2 s22, s29  }
0xa7: {  	[tilespmem:s0], [sflag:$0x7] =	stream.linear.gather @!p2 [hbm4b:s19+s28], $0x50, $0x38;
	[tilespmem:$0x16400] =	vst v63  }
0xa8: {  	_ =	swait.ge @!p3 [sflag:s23], $0x5000  }
0xa9: {  	s20 =	sadd.s32 $0xFFFFFFFF, s25;
	[sflag:s23] =	ssyncset.done @!p3 $0x0  }
0xaa: {  	p4 =	sge.u32 s20, s4;
	s20 =	simm.s32 @!p3 $0x5;
	[sflag:s23] =	ssyncadd.s32 @!p3 $0xFFFFB000  }
0xab: {  	_ =	swait.ge @!p3 [sflag:s20], $0x50  }
0xac: {  	[sflag:s20] =	ssyncset.done @!p3 $0x0  }
0xad: {  	[sflag:s20] =	ssyncadd.s32 @!p3 $0xFFFFFFB0  }
0xae: {  	_ =	swait.ge @!p3 [sflag:s20], $0x50  }
0xaf: {  	s21 =	simm.s32 @!p3 $0x14000;
	[sflag:s20] =	ssyncset.done @!p3 $0x0  }
0xb0: {  	s29 =	simm.s32 @!p3 $0x50;
	s23 =	simm.s32 @!p3 $0x0;
	[sflag:s20] =	ssyncadd.s32 @!p3 $0xFFFFFFB0  }
0xb1: {  	[spmem:s2] =	stream.indirect.scatter.add.f32 @!p3 [tilespmem:s23], [sflag:$0x9], $0x80, s21, s29, $0xb8;
	[tilespmem:$0x16400] =	vst v63  }
0xb2: {  	s1 =	simm.s32 @!p4 $0xC;
	s19 =	simm.s32 @!p3 $0x14080;
	s28 =	simm.s32 @!p3 $0x2800  }
0xb3: {  	[spmem:s2] =	stream.indirect.scatter.add.f32 @!p3 [tilespmem:s28], [sflag:$0x9], $0x80, s19, s29, $0xb8;
	[tilespmem:$0x16400] =	vst v63  }
0xb4: {  	_ =	swait.ge @!p4 [sflag:s1], $0x2800  }
0xb5: {  	[sflag:s1] =	ssyncset.done @!p4 $0x0  }
0xb6: {  	s20 =	sadd.s32 $0x3, s25;
	[sflag:s1] =	ssyncadd.s32 @!p4 $0xFFFFD800  }
0xb7: {  	p0 =	sge.u32 s20, s4;
	_ =	swait.ge @!p4 [sflag:s1], $0x2800  }
0xb8: {  	s23 =	simm.s32 @!p0 $0xF000;
	s19 =	sadd.s32 @!p0 s22, s15;
	[sflag:s1] =	ssyncset.done @!p4 $0x0  }
0xb9: {  	s20 =	rddreg [dreg:$0x7];
	[sflag:s1] =	ssyncadd.s32 @!p4 $0xFFFFD800;
	s1 =	simm.s32 @!p0 $0x0  }
0xba: {  	[tilespmem:s23], [sflag:$0x4] =	stream.linear.gather @!p0 [hbm4b:s26+s1], $0x5000, $0x38;
	[tilespmem:$0x16400] =	vst v63  }
0xbb: {  	s28 =	simm.s32 @!p0 $0x14300;
	s19 =	sadd.s32 @!p0 $0x3C, s19;
	s21 =	rddreg [dreg:$0x6]  }
0xbc: {  	[tilespmem:s28], [sflag:$0x8] =	stream.linear.gather @!p0 [hbm4b:s19+s1], $0x50, $0x38;
	[tilespmem:$0x16400] =	vst v63  }
0xbd: {  	s29 =	simm.s32 @!p0 $0x14380;
	p4 =	sge.u32 s25, s20;
	s19 =	sadd.s32 @!p0 s22, s21  }
0xbe: {  	[tilespmem:s29], [sflag:$0x8] =	stream.linear.gather @!p0 [hbm4b:s19+s1], $0x50, $0x38;
	[tilespmem:$0x16400] =	vst v63  }
0xbf: {  	s1 =	simm.s32 @!p4 $0x2  }
0xc0: {  	_ =	swait.ge @!p4 [sflag:s1], $0x5000  }
0xc1: {  	[sflag:s1] =	ssyncset.done @!p4 $0x0  }
0xc2: {  	[sflag:s1] =	ssyncadd.s32 @!p4 $0xFFFFB000;
	s1 =	simm.s32 @!p4 $0x6  }
0xc3: {  	_ =	swait.ge @!p4 [sflag:s1], $0x50  }
0xc4: {  	[sflag:s1] =	ssyncset.done @!p4 $0x0  }
0xc5: {  	[sflag:s1] =	ssyncadd.s32 @!p4 $0xFFFFFFB0  }
0xc6: {  	_ =	swait.ge @!p4 [sflag:s1], $0x50  }
0xc7: {  	s20 =	simm.s32 @!p4 $0x5000;
	[sflag:s1] =	ssyncset.done @!p4 $0x0  }
0xc8: {  	s21 =	simm.s32 @!p4 $0x14100;
	[sflag:s1] =	ssyncadd.s32 @!p4 $0xFFFFFFB0;
	s1 =	simm.s32 @!p4 $0x50  }
0xc9: {  	[spmem:s2] =	stream.indirect.scatter.add.f32 @!p4 [tilespmem:s20], [sflag:$0xA], $0x80, s21, s1, $0xb8;
	[tilespmem:$0x16400] =	vst v63  }
0xca: {  	s19 =	simm.s32 @!p3 $0x9;
	s20 =	simm.s32 @!p4 $0x14180;
	s21 =	simm.s32 @!p4 $0x7800  }
0xcb: {  	[spmem:s2] =	stream.indirect.scatter.add.f32 @!p4 [tilespmem:s21], [sflag:$0xA], $0x80, s20, s1, $0xb8;
	[tilespmem:$0x16400] =	vst v63  }
0xcc: {  	_ =	swait.ge @!p3 [sflag:s19], $0x2800  }
0xcd: {  	[sflag:s19] =	ssyncset.done @!p3 $0x0  }
0xce: {  	s30 =	smov.u32 s25;
	s25 =	sadd.s32 $0x4, s25;
	[sflag:s19] =	ssyncadd.s32 @!p3 $0xFFFFD800  }
0xcf: {  	p5 =	sge.u32 s25, s4;
	_ =	swait.ge @!p3 [sflag:s19], $0x2800  }
0xd0: {  	s1 =	sadd.s32 @!p5 $0xA00, s26;
	[sflag:s19] =	ssyncset.done @!p3 $0x0  }
0xd1: {  	s20 =	simm.s32 @!p5 $0x0;
	s21 =	sadd.s32 @!p5 s22, s15;
	[sflag:s19] =	ssyncadd.s32 @!p3 $0xFFFFD800  }
0xd2: {  	[tilespmem:s20], [sflag:$0x1] =	stream.linear.gather @!p5 [hbm4b:s1+s20], $0x5000, $0x38;
	[tilespmem:$0x16400] =	vst v63  }
0xd3: {  	s21 =	sadd.s32 @!p5 $0x50, s21;
	s19 =	rddreg [dreg:$0x8];
	s1 =	simm.s32 @!p5 $0x14000  }
0xd4: {  	[tilespmem:s1], [sflag:$0x5] =	stream.linear.gather @!p5 [hbm4b:s21+s20], $0x50, $0x38;
	[tilespmem:$0x16400] =	vst v63  }
0xd5: {  	s1 =	sadd.s32 @!p5 s22, s19;
	s19 =	simm.s32 @!p5 $0x14080;
	s21 =	simm.s32 @!p2 $0x3  }
0xd6: {  	[tilespmem:s19], [sflag:$0x5] =	stream.linear.gather @!p5 [hbm4b:s1+s20], $0x50, $0x38;
	[tilespmem:$0x16400] =	vst v63  }
0xd7: {  	_ =	swait.ge @!p2 [sflag:s21], $0x5000  }
0xd8: {  	[sflag:s21] =	ssyncset.done @!p2 $0x0  }
0xd9: {  	s1 =	simm.s32 @!p2 $0x7;
	[sflag:s21] =	ssyncadd.s32 @!p2 $0xFFFFB000  }
0xda: {  	_ =	swait.ge @!p2 [sflag:s1], $0x50  }
0xdb: {  	[sflag:s1] =	ssyncset.done @!p2 $0x0  }
0xdc: {  	[sflag:s1] =	ssyncadd.s32 @!p2 $0xFFFFFFB0  }
0xdd: {  	_ =	swait.ge @!p2 [sflag:s1], $0x50  }
0xde: {  	[sflag:s1] =	ssyncset.done @!p2 $0x0  }
0xdf: {  	[sflag:s1] =	ssyncadd.s32 @!p2 $0xFFFFFFB0;
	s1 =	simm.s32 @!p2 $0x50  }
0xe0: {  	[spmem:s2] =	stream.indirect.scatter.add.f32 @!p2 [tilespmem:s17], [sflag:$0xB], $0x80, s18, s1, $0xb8;
	[tilespmem:$0x16400] =	vst v63  }
0xe1: {  	s24 =	sadd.s32 $0x50, s24;
	s17 =	simm.s32 @!p2 $0xC800;
	s18 =	simm.s32 @!p4 $0xA  }
0xe2: {  	[spmem:s2] =	stream.indirect.scatter.add.f32 @!p2 [tilespmem:s17], [sflag:$0xB], $0x80, s0, s1, $0xb8;
	[tilespmem:$0x16400] =	vst v63  }
0xe3: {  	p1 =	sne.s32 s24, $0x1E0;
	_ =	swait.ge @!p4 [sflag:s18], $0x2800  }
.Ltmp1:
0xe4: {  	[sflag:s18] =	ssyncset.done @!p4 $0x0;
	(pc) =	sbr.rel @p1 .LBB2_4-.Ltmp1, $4  }
0xe5: {  	s30 =	sadd.s32 $0x5, s30;
	[sflag:s18] =	ssyncadd.s32 @!p4 $0xFFFFD800  }
0xe6: {  	s31 =	smov.u32 s26;
	p2 =	sge.u32 s30, s4;
	_ =	swait.ge @!p4 [sflag:s18], $0x2800  }
0xe7: {  	s26 =	sadd.s32 $0x2800, s26;
	s0 =	simm.s32 @!p2 $0x0;
	[sflag:s18] =	ssyncset.done @!p4 $0x0  }
0xe8: {  	s17 =	rddreg [dreg:$0x9];
	[sflag:s18] =	ssyncadd.s32 @!p4 $0xFFFFD800;
	s18 =	sadd.s32 @!p2 $0x1400, s31  }
0xe9: {  	s1 =	simm.s32 @!p2 $0x5000;
	s19 =	sadd.s32 @!p2 s22, s15  }
0xea: {  	[tilespmem:s1], [sflag:$0x2] =	stream.linear.gather @!p2 [hbm4b:s18+s0], $0x5000, $0x38;
	[tilespmem:$0x16400] =	vst v63  }
0xeb: {  	s1 =	simm.s32 @!p2 $0x14100;
	s18 =	sadd.s32 @!p2 $0x64, s19  }
0xec: {  	[tilespmem:s1], [sflag:$0x6] =	stream.linear.gather @!p2 [hbm4b:s18+s0], $0x50, $0x38;
	[tilespmem:$0x16400] =	vst v63  }
0xed: {  	s1 =	sadd.s32 @!p2 s22, s17;
	s17 =	simm.s32 @!p2 $0x14180;
	s18 =	simm.s32 @!p0 $0x4  }
0xee: {  	[tilespmem:s17], [sflag:$0x6] =	stream.linear.gather @!p2 [hbm4b:s1+s0], $0x50, $0x38;
	[tilespmem:$0x16400] =	vst v63  }
0xef: {  	_ =	swait.ge @!p0 [sflag:s18], $0x5000  }
0xf0: {  	[sflag:s18] =	ssyncset.done @!p0 $0x0  }
0xf1: {  	s0 =	simm.s32 @!p0 $0x8;
	[sflag:s18] =	ssyncadd.s32 @!p0 $0xFFFFB000  }
0xf2: {  	_ =	swait.ge @!p0 [sflag:s0], $0x50  }
0xf3: {  	[sflag:s0] =	ssyncset.done @!p0 $0x0  }
0xf4: {  	[sflag:s0] =	ssyncadd.s32 @!p0 $0xFFFFFFB0  }
0xf5: {  	_ =	swait.ge @!p0 [sflag:s0], $0x50  }
0xf6: {  	[sflag:s0] =	ssyncset.done @!p0 $0x0  }
0xf7: {  	s1 =	simm.s32 @!p0 $0x50;
	[sflag:s0] =	ssyncadd.s32 @!p0 $0xFFFFFFB0  }
0xf8: {  	[spmem:s2] =	stream.indirect.scatter.add.f32 @!p0 [tilespmem:s23], [sflag:$0xC], $0x80, s28, s1, $0xb8;
	[tilespmem:$0x16400] =	vst v63  }
0xf9: {  	s30 =	stileid.u32;
	s3 =	sadd.s32 $0x1, s3;
	s0 =	simm.s32 @!p0 $0x11800  }
0xfa: {  	[spmem:s2] =	stream.indirect.scatter.add.f32 @!p0 [tilespmem:s0], [sflag:$0xC], $0x80, s29, s1, $0xb8;
	[tilespmem:$0x16400] =	vst v63  }
0xfb: {  	s31 =	sshrl.u32 s5, $0x3;
	s0 =	sshll.u32 s30, $0x6;
	p0 =	sne.s32 s3, s12  }
.Ltmp2:
0xfc: {  	[bflag:$0x0] =	sbarrier.arrive $0xFFFF;
	s0 =	sor.u32 $0x1C0D, s0;
	(pc) =	sbr.rel @p0 .LBB2_1-.Ltmp2, $4  }
0xfd: {  	[hbm:s13], [sflag:s0] =	dma.local [spmem:s31], $0x400  }
0xfe: {  	_ =	swait.ge [sflag:s16], $0x400  }
0xff: {  	[sflag:s16] =	ssyncset.done $0x0  }
0x100: {  	[sflag:s16] =	ssyncadd.s32 $0xFFFFFC00  }
0x101: {  	_ =	sfence.sel $0x180000  }
0x102: {  	[bflag:$0x0] =	sbarrier.arrive $0xFFFF  }
0x103: {  	_ =	strace $0x90000047  }
0x104: {  	s0 =	stileid.u32;
	[bflag:$0x2] =	sbarrier.arrive $0xFFFF  }
0x105: {  	p0 =	sne.s32 s0, $0x0;
	s0 =	rddreg [dreg:$0x4]  }
0x106: {  	s0 =	sadd.s32 @!p0 $0x100000, s0  }
0x107: {  	[sflag:s0] =	ssyncadd.tile.s32 @!p0 $0x1;
	_ =	shalt  }
.Lfunc_end2:
_tile_overlayer_lowered:
.L_overlay_start_2:
0x108: {  	(tag) =	ssettag $0x2  }
0x109: {  	s0 =	rddreg [dreg:$0x0];
	s2 =	stileid.u32  }
0x10a: {  	s1 =	rddreg [dreg:$0x1];
	p0 =	sne.s32 s2, $0x0  }
0x10b: {  	s3 =	rddreg [dreg:$0x2];
	[bflag:$0x3] =	sbarrier.arrive $0xFFFF;
	s2 =	simm.s32 @!p0 $0x1C0D  }
0x10c: {  	[timem:s3], [sflag:s2] =	dma.local @!p0 [hbm:s0], s1  }
0x10d: {  	s0 =	simm.s32 @!p0 $0xD  }
0x10e: {  	_ =	swait.ge @!p0 [sflag:s0], s1  }
0x10f: {  	s1 =	ssub.s32 @!p0 $0x0, s1;
	[sflag:s0] =	ssyncset.done @!p0 $0x0  }
0x110: {  	[sflag:s0] =	ssyncadd.s32 @!p0 s1  }
0x111: {  	[bflag:$0x3] =	sbarrier.arrive $0xFFFF  }
0x112: {  	_ =	shalt  }

</sc_bundles>
